<compile_context>
chip_gen: v7x
topology: tpu7x:2x2x1
jax: 0.10.2.dev20260603
libtpu: 0.0.44.dev20260713+nightly
codegen_flags: <defaults>
</compile_context>

<pallas_src>
import jax
import jax.numpy as jnp
from jax import lax
from jax.experimental import pallas as pl
from jax.experimental.pallas import tpu as pltpu
from jax.experimental.pallas import tpu_sc as plsc

NUM_TYPES = 512
HIDDEN = 256
EDGES = 160000

NC = 2
NS = 16
NPAIR = NC * NS // 2
PAIR_EDGES = EDGES // NPAIR
HCOL = HIDDEN // 2
CHUNK = 96
NFULL = PAIR_EDGES // CHUNK
TAIL = PAIR_EDGES - NFULL * CHUNK
SC_EDGES = EDGES // NC
TPS = SC_EDGES // NS

assert NFULL % 2 == 0 and CHUNK % 8 == 0 and TAIL % 8 == 0


def _body(table_hbm, idx_hbm, out_hbm, tbl_v, buf, idx_stage, idx_sp, idx_sm,
          tail_sm, ssem0, ssem1, tsem, isem):
    c = lax.axis_index("c")
    s = lax.axis_index("s")
    pair = s // 2
    h = s % 2
    col0 = pl.multiple_of(h * HCOL, 8)
    pair_base = c * SC_EDGES + pair * PAIR_EDGES
    sp_base = pair * PAIR_EDGES
    ssems = (ssem0, ssem1)

    tcopy = pltpu.async_copy(table_hbm.at[:, pl.ds(col0, HCOL)], tbl_v, tsem)
    pltpu.async_copy(idx_hbm.at[pl.ds(pair_base, PAIR_EDGES)], idx_stage,
                     isem).wait()
    my_sp = pl.multiple_of(s * PAIR_EDGES, 8)
    pltpu.async_copy(idx_stage, idx_sp.at[pl.ds(my_sp, PAIR_EDGES)],
                     isem).wait()

    def swait(b):
        pltpu.make_async_copy(
            buf.at[b], out_hbm.at[pl.ds(0, CHUNK), pl.ds(0, HCOL)],
            ssems[b]).wait()

    def ipf(cidx, b):
        off = pl.multiple_of(
            jnp.minimum(cidx, NFULL - 1) * CHUNK, 8)
        pltpu.async_copy(idx_sp.at[pl.ds(my_sp + off, CHUNK)], idx_sm.at[b],
                         isem)

    def iwait(b):
        pltpu.make_async_copy(idx_sp.at[pl.ds(my_sp, CHUNK)], idx_sm.at[b],
                              isem).wait()

    def do_chunk(cidx, b, wait_store):
        off = pl.multiple_of(cidx * CHUNK, 8)
        iwait(b)
        ipf(cidx + 1, 1 - b)
        if wait_store:
            swait(b)

        @plsc.parallel_loop(0, CHUNK, step=1, unroll=4)
        def _(j):
            t = idx_sm[b, j]
            for v in range(HCOL // 16):
                buf[b, j, pl.ds(16 * v, 16)] = tbl_v[t, pl.ds(16 * v, 16)]

        pltpu.async_copy(
            buf.at[b],
            out_hbm.at[pl.ds(pair_base + off, CHUNK), pl.ds(col0, HCOL)],
            ssems[b])

    ipf(0, 0)
    tcopy.wait()

    do_chunk(0, 0, False)
    do_chunk(1, 1, False)

    def two(t, carry):
        for b in range(2):
            do_chunk(2 * t + b, b, True)
        return carry

    lax.fori_loop(1, NFULL // 2, two, 0)

    iwait(0)
    swait(0)
    swait(1)
    toff = NFULL * CHUNK
    pltpu.sync_copy(idx_sp.at[pl.ds(my_sp + toff, TAIL)], tail_sm)

    @plsc.parallel_loop(0, TAIL, step=1, unroll=2)
    def _(j):
        t = tail_sm[j]
        for v in range(HCOL // 16):
            buf[0, j, pl.ds(16 * v, 16)] = tbl_v[t, pl.ds(16 * v, 16)]

    pltpu.sync_copy(
        buf.at[0, pl.ds(0, TAIL)],
        out_hbm.at[pl.ds(pair_base + toff, TAIL), pl.ds(col0, HCOL)])


def _build():
    mesh = plsc.VectorSubcoreMesh(
        core_axis_name="c", subcore_axis_name="s", num_cores=NC,
        num_subcores=NS)
    return pl.kernel(
        _body,
        out_type=jax.ShapeDtypeStruct((EDGES, HIDDEN), jnp.float32),
        mesh=mesh,
        scratch_types=[
            pltpu.VMEM((NUM_TYPES, HCOL), jnp.float32),
            pltpu.VMEM((2, CHUNK, HCOL), jnp.float32),
            pltpu.VMEM((PAIR_EDGES,), jnp.int32),
            pltpu.VMEM_SHARED((NS * PAIR_EDGES,), jnp.int32),
            pltpu.SMEM((2, CHUNK), jnp.int32),
            pltpu.SMEM((TAIL,), jnp.int32),
            pltpu.SemaphoreType.DMA,
            pltpu.SemaphoreType.DMA,
            pltpu.SemaphoreType.DMA,
            pltpu.SemaphoreType.DMA,
        ],
    )


def kernel(type_indices, type_embedding):
    idx = type_indices.astype(jnp.int32)
    return _build()(type_embedding, idx)

# --- scband reference (transcript-rebuilt; emitter-appended) ---
"""Pipeline reference for scband-edge-type-encoder-88983132438882 (READ-ONLY COPY).

The authoritative reference and input builder live on the scoring server;
editing this copy changes nothing except your own understanding.
"""

import jax, jax.numpy as jnp
import numpy as np

NUM_TYPES = 512
HIDDEN_DIM = 256
NUM_EDGES = 160000


def setup_inputs(seed: int = 0) -> dict:
    key = jax.random.key(seed)
    k_idx, k_tab = jax.random.split(key)
    type_indices = jax.random.randint(k_idx, (NUM_EDGES,), 0, NUM_TYPES, dtype=jnp.int64 if jax.config.jax_enable_x64 else jnp.int32)
    # nn.Embedding weight, init normal std=0.02 per _init_weights
    type_embedding = jax.random.normal(k_tab, (NUM_TYPES, HIDDEN_DIM), dtype=jnp.float32) * 0.02
    return {"type_indices": type_indices, "type_embedding": type_embedding}


def reference(type_indices, type_embedding):
    # EdgeTypeEncoder.forward: embedding lookup -> (num_edges, hidden_dim)
    return jnp.take(type_embedding, type_indices, axis=0)

if __name__ == "__main__":
    import jax
    _d = setup_inputs()
    print(jax.jit(kernel)(*tuple(_d.values())))

</pallas_src>

<mosaic_0001>
#map = affine_map<(d0, d1) -> (0, 0)>
#map1 = affine_map<(d0, d1) -> (0)>
module attributes {stable_mosaic.version = 14 : i64} {
  func.func @_body(%arg0: i32, %arg1: i32, %arg2: memref<512x256xf32, #tpu.memory_space<hbm>>, %arg3: memref<160000xi32, #tpu.memory_space<hbm>>, %arg4: memref<160000x256xf32, #tpu.memory_space<hbm>>, %arg5: memref<512x128xf32, #tpu.memory_space<vmem>>, %arg6: memref<2x96x128xf32, #tpu.memory_space<vmem>>, %arg7: memref<10000xi32, #tpu.memory_space<vmem>>, %arg8: memref<160000xi32, #tpu.memory_space<vmem_shared>>, %arg9: memref<2x96xi32, #tpu.memory_space<smem>>, %arg10: memref<16xi32, #tpu.memory_space<smem>>, %arg11: memref<!tpu.dma_semaphore, #tpu.memory_space<semaphore_mem>>, %arg12: memref<!tpu.dma_semaphore, #tpu.memory_space<semaphore_mem>>, %arg13: memref<!tpu.dma_semaphore, #tpu.memory_space<semaphore_mem>>, %arg14: memref<!tpu.dma_semaphore, #tpu.memory_space<semaphore_mem>>) attributes {dimension_semantics = [#tpu.dimension_semantics<core_parallel>, #tpu.dimension_semantics<subcore_parallel>], iteration_bounds = array<i64: 2, 16>, scalar_prefetch = 0 : i64, scratch_operands = 10 : i64, tpu.core_type = #tpu.core_type<sc_vector_subcore>, window_params = [{transform_indices = #map}, {transform_indices = #map1}, {transform_indices = #map}]} {
    %jit3A = arith.constant 2 : i32
    %div3A = arith.divsi %arg1, %jit3A : i32
    %sign3A = arith.constant 0 : i32
    %sign3A_0 = arith.cmpi sgt, %arg1, %sign3A : i32
    %sign3A_1 = arith.extui %sign3A_0 : i1 to i32
    %sign3A_2 = arith.constant 0 : i32
    %sign3A_3 = arith.cmpi slt, %arg1, %sign3A_2 : i32
    %sign3A_4 = arith.extui %sign3A_3 : i1 to i32
    %sign3A_5 = arith.subi %sign3A_1, %sign3A_4 : i32
    %sign3A_6 = arith.constant 0 : i32
    %sign3A_7 = arith.cmpi sgt, %jit3A, %sign3A_6 : i32
    %sign3A_8 = arith.extui %sign3A_7 : i1 to i32
    %sign3A_9 = arith.constant 0 : i32
    %sign3A_10 = arith.cmpi slt, %jit3A, %sign3A_9 : i32
    %sign3A_11 = arith.extui %sign3A_10 : i1 to i32
    %sign3A_12 = arith.subi %sign3A_8, %sign3A_11 : i32
    %ne3A = arith.cmpi ne, %sign3A_5, %sign3A_12 : i32
    %rem3A = arith.remsi %arg1, %jit3A : i32
    %ne3A_13 = arith.constant 0 : i32
    %ne3A_14 = arith.cmpi ne, %rem3A, %ne3A_13 : i32
    %and3A = arith.andi %ne3A, %ne3A_14 : i1
    %sub3A = arith.constant 1 : i32
    %sub3A_15 = arith.subi %div3A, %sub3A : i32
    %select_n3A = arith.select %and3A, %sub3A_15, %div3A : i32
    %jit3A_16 = arith.constant 2 : i32
    %eq3A = arith.constant 0 : i32
    %eq3A_17 = arith.cmpi eq, %jit3A_16, %eq3A : i32
    %jit3A_18 = arith.constant 1 : i32
    %select_n3A_19 = arith.select %eq3A_17, %jit3A_18, %jit3A_16 : i32
    %rem3A_20 = arith.remsi %arg1, %select_n3A_19 : i32
    %ne3A_21 = arith.constant 0 : i32
    %ne3A_22 = arith.cmpi ne, %rem3A_20, %ne3A_21 : i32
    %lt3A = arith.constant 0 : i32
    %lt3A_23 = arith.cmpi slt, %rem3A_20, %lt3A : i32
    %lt3A_24 = arith.constant 0 : i32
    %lt3A_25 = arith.cmpi slt, %select_n3A_19, %lt3A_24 : i32
    %ne3A_26 = arith.xori %lt3A_23, %lt3A_25 : i1
    %and3A_27 = arith.andi %ne3A_26, %ne3A_22 : i1
    %add3A = arith.addi %rem3A_20, %select_n3A_19 : i32
    %select_n3A_28 = arith.select %and3A_27, %add3A, %rem3A_20 : i32
    %mul3A = arith.constant 128 : i32
    %mul3A_29 = arith.muli %select_n3A_28, %mul3A : i32
    %multiple_of3A = tpu.assume_multiple %mul3A_29, 8 : i32
    %mul3A_30 = arith.constant 80000 : i32
    %mul3A_31 = arith.muli %arg0, %mul3A_30 : i32
    %mul3A_32 = arith.constant 10000 : i32
    %mul3A_33 = arith.muli %select_n3A, %mul3A_32 : i32
    %add3A_34 = arith.addi %mul3A_31, %mul3A_33 : i32
    %mul3A_35 = arith.constant 10000 : i32
    %mul3A_36 = arith.muli %select_n3A, %mul3A_35 : i32
    %dma_start3A = arith.constant 0 : i32
    %dma_start3A_37 = tpu.memref_slice %arg2[%dma_start3A, %multiple_of3A] : memref<512x256xf32, #tpu.memory_space<hbm>> -> memref<512x128xf32, #tpu.memory_space<hbm>>
    %dma_start3A_38 = arith.constant 0 : i32
    %dma_start3A_39 = tpu.memref_slice %arg2[%dma_start3A_38, %multiple_of3A] : memref<512x256xf32, #tpu.memory_space<hbm>> -> memref<512x128xf32, #tpu.memory_space<hbm>>
    tpu.enqueue_dma source(%dma_start3A_39 : memref<512x128xf32, #tpu.memory_space<hbm>>) target(%arg5 : memref<512x128xf32, #tpu.memory_space<vmem>>) target_semaphore(%arg13 : memref<!tpu.dma_semaphore, #tpu.memory_space<semaphore_mem>>)
    %dma_start3A_40 = tpu.memref_slice %arg3[%add3A_34] : memref<160000xi32, #tpu.memory_space<hbm>> -> memref<10000xi32, #tpu.memory_space<hbm>>
    %dma_start3A_41 = tpu.memref_slice %arg3[%add3A_34] : memref<160000xi32, #tpu.memory_space<hbm>> -> memref<10000xi32, #tpu.memory_space<hbm>>
    tpu.enqueue_dma source(%dma_start3A_41 : memref<10000xi32, #tpu.memory_space<hbm>>) target(%arg7 : memref<10000xi32, #tpu.memory_space<vmem>>) target_semaphore(%arg14 : memref<!tpu.dma_semaphore, #tpu.memory_space<semaphore_mem>>)
    %dma_wait3A = tpu.memref_slice %arg3[%add3A_34] : memref<160000xi32, #tpu.memory_space<hbm>> -> memref<10000xi32, #tpu.memory_space<hbm>>
    %dma_wait3A_42 = tpu.memref_slice %arg3[%add3A_34] : memref<160000xi32, #tpu.memory_space<hbm>> -> memref<10000xi32, #tpu.memory_space<hbm>>
    tpu.wait_dma2 semaphore(%arg14 : memref<!tpu.dma_semaphore, #tpu.memory_space<semaphore_mem>>) src(%dma_wait3A_42 : memref<10000xi32, #tpu.memory_space<hbm>>) dst(%arg7 : memref<10000xi32, #tpu.memory_space<vmem>>)
    %mul3A_43 = arith.constant 10000 : i32
    %mul3A_44 = arith.muli %arg1, %mul3A_43 : i32
    %multiple_of3A_45 = tpu.assume_multiple %mul3A_44, 8 : i32
    %dma_start3A_46 = tpu.memref_slice %arg8[%multiple_of3A_45] : memref<160000xi32, #tpu.memory_space<vmem_shared>> -> memref<10000xi32, #tpu.memory_space<vmem_shared>>
    %dma_start3A_47 = tpu.memref_slice %arg8[%multiple_of3A_45] : memref<160000xi32, #tpu.memory_space<vmem_shared>> -> memref<10000xi32, #tpu.memory_space<vmem_shared>>
    tpu.enqueue_dma source(%arg7 : memref<10000xi32, #tpu.memory_space<vmem>>) target(%dma_start3A_47 : memref<10000xi32, #tpu.memory_space<vmem_shared>>) target_semaphore(%arg14 : memref<!tpu.dma_semaphore, #tpu.memory_space<semaphore_mem>>)
    %dma_wait3A_48 = tpu.memref_slice %arg8[%multiple_of3A_45] : memref<160000xi32, #tpu.memory_space<vmem_shared>> -> memref<10000xi32, #tpu.memory_space<vmem_shared>>
    %dma_wait3A_49 = tpu.memref_slice %arg8[%multiple_of3A_45] : memref<160000xi32, #tpu.memory_space<vmem_shared>> -> memref<10000xi32, #tpu.memory_space<vmem_shared>>
    tpu.wait_dma2 semaphore(%arg14 : memref<!tpu.dma_semaphore, #tpu.memory_space<semaphore_mem>>) src(%arg7 : memref<10000xi32, #tpu.memory_space<vmem>>) dst(%dma_wait3A_49 : memref<10000xi32, #tpu.memory_space<vmem_shared>>)
    %min3A = arith.constant 0 : i32
    %min3A_50 = arith.constant 103 : i32
    %min3A_51 = arith.minsi %min3A, %min3A_50 : i32
    %mul3A_52 = arith.constant 96 : i32
    %mul3A_53 = arith.muli %min3A_51, %mul3A_52 : i32
    %multiple_of3A_54 = tpu.assume_multiple %mul3A_53, 8 : i32
    %add3A_55 = arith.addi %multiple_of3A_45, %multiple_of3A_54 : i32
    %dma_start3A_56 = arith.constant 0 : i32
    %dma_start3A_57 = arith.constant 0 : i32
    %dma_start3A_58 = tpu.memref_slice %arg9[%dma_start3A_56, %dma_start3A_57] : memref<2x96xi32, #tpu.memory_space<smem>> -> memref<1x96xi32, #tpu.memory_space<smem>>
    %dma_start3A_59 = tpu.memref_squeeze %dma_start3A_58 : memref<1x96xi32, #tpu.memory_space<smem>> -> memref<96xi32, #tpu.memory_space<smem>>
    %dma_start3A_60 = tpu.memref_slice %arg8[%add3A_55] : memref<160000xi32, #tpu.memory_space<vmem_shared>> -> memref<96xi32, #tpu.memory_space<vmem_shared>>
    tpu.enqueue_dma source(%dma_start3A_60 : memref<96xi32, #tpu.memory_space<vmem_shared>>) target(%dma_start3A_59 : memref<96xi32, #tpu.memory_space<smem>>) target_semaphore(%arg14 : memref<!tpu.dma_semaphore, #tpu.memory_space<semaphore_mem>>)
    %dma_wait3A_61 = arith.constant 0 : i32
    %dma_wait3A_62 = tpu.memref_slice %arg2[%dma_wait3A_61, %multiple_of3A] : memref<512x256xf32, #tpu.memory_space<hbm>> -> memref<512x128xf32, #tpu.memory_space<hbm>>
    %dma_wait3A_63 = arith.constant 0 : i32
    %dma_wait3A_64 = tpu.memref_slice %arg2[%dma_wait3A_63, %multiple_of3A] : memref<512x256xf32, #tpu.memory_space<hbm>> -> memref<512x128xf32, #tpu.memory_space<hbm>>
    tpu.wait_dma2 semaphore(%arg13 : memref<!tpu.dma_semaphore, #tpu.memory_space<semaphore_mem>>) src(%dma_wait3A_64 : memref<512x128xf32, #tpu.memory_space<hbm>>) dst(%arg5 : memref<512x128xf32, #tpu.memory_space<vmem>>)
    %multiple_of3A_65 = arith.constant 0 : i32
    %multiple_of3A_66 = tpu.assume_multiple %multiple_of3A_65, 8 : i32
    %dma_wait3A_67 = arith.constant 0 : i32
    %dma_wait3A_68 = arith.constant 0 : i32
    %dma_wait3A_69 = tpu.memref_slice %arg9[%dma_wait3A_67, %dma_wait3A_68] : memref<2x96xi32, #tpu.memory_space<smem>> -> memref<1x96xi32, #tpu.memory_space<smem>>
    %dma_wait3A_70 = tpu.memref_squeeze %dma_wait3A_69 : memref<1x96xi32, #tpu.memory_space<smem>> -> memref<96xi32, #tpu.memory_space<smem>>
    %dma_wait3A_71 = tpu.memref_slice %arg8[%multiple_of3A_45] : memref<160000xi32, #tpu.memory_space<vmem_shared>> -> memref<96xi32, #tpu.memory_space<vmem_shared>>
    tpu.wait_dma2 semaphore(%arg14 : memref<!tpu.dma_semaphore, #tpu.memory_space<semaphore_mem>>) src(%dma_wait3A_71 : memref<96xi32, #tpu.memory_space<vmem_shared>>) dst(%dma_wait3A_70 : memref<96xi32, #tpu.memory_space<smem>>)
    %min3A_72 = arith.constant 1 : i32
    %min3A_73 = arith.constant 103 : i32
    %min3A_74 = arith.minsi %min3A_72, %min3A_73 : i32
    %mul3A_75 = arith.constant 96 : i32
    %mul3A_76 = arith.muli %min3A_74, %mul3A_75 : i32
    %multiple_of3A_77 = tpu.assume_multiple %mul3A_76, 8 : i32
    %add3A_78 = arith.addi %multiple_of3A_45, %multiple_of3A_77 : i32
    %dma_start3A_79 = arith.constant 1 : i32
    %dma_start3A_80 = arith.constant 0 : i32
    %dma_start3A_81 = tpu.memref_slice %arg9[%dma_start3A_79, %dma_start3A_80] : memref<2x96xi32, #tpu.memory_space<smem>> -> memref<1x96xi32, #tpu.memory_space<smem>>
    %dma_start3A_82 = tpu.memref_squeeze %dma_start3A_81 : memref<1x96xi32, #tpu.memory_space<smem>> -> memref<96xi32, #tpu.memory_space<smem>>
    %dma_start3A_83 = tpu.memref_slice %arg8[%add3A_78] : memref<160000xi32, #tpu.memory_space<vmem_shared>> -> memref<96xi32, #tpu.memory_space<vmem_shared>>
    tpu.enqueue_dma source(%dma_start3A_83 : memref<96xi32, #tpu.memory_space<vmem_shared>>) target(%dma_start3A_82 : memref<96xi32, #tpu.memory_space<smem>>) target_semaphore(%arg14 : memref<!tpu.dma_semaphore, #tpu.memory_space<semaphore_mem>>)
    %parallel_loop3A = arith.constant 0 : i32
    %parallel_loop3A_84 = arith.constant 96 : i32
    %parallel_loop3A_85 = arith.constant 1 : i32
    scf.for %parallel_loop3A_179 = %parallel_loop3A to %parallel_loop3A_84 step %parallel_loop3A_85  : i32 {
      %parallel_loop3A_180 = arith.constant 0 : i32
      %parallel_loop3A_181 = arith.index_cast %parallel_loop3A_180 : i32 to index
      %parallel_loop3A_182 = arith.index_cast %parallel_loop3A_179 : i32 to index
      %parallel_loop3A_183 = memref.load %arg9[%parallel_loop3A_181, %parallel_loop3A_182] : memref<2x96xi32, #tpu.memory_space<smem>>
      %parallel_loop3A_184 = arith.index_cast %parallel_loop3A_183 : i32 to index
      %parallel_loop3A_185 = arith.constant 0 : index
      %parallel_loop3A_186 = tpu.vector_load %arg5[%parallel_loop3A_184, %parallel_loop3A_185] {strides = array<i32>} : memref<512x128xf32, #tpu.memory_space<vmem>>, vector<1x16xf32>,
      %parallel_loop3A_187 = vector.shape_cast %parallel_loop3A_186 : vector<1x16xf32> to vector<16xf32>
      %parallel_loop3A_188 = arith.constant 0 : i32
      %parallel_loop3A_189 = arith.index_cast %parallel_loop3A_188 : i32 to index
      %parallel_loop3A_190 = arith.index_cast %parallel_loop3A_179 : i32 to index
      %parallel_loop3A_191 = arith.constant 0 : index
      %parallel_loop3A_192 = tpu.vector_load %arg6[%parallel_loop3A_189, %parallel_loop3A_190, %parallel_loop3A_191] {strides = array<i32>} : memref<2x96x128xf32, #tpu.memory_space<vmem>>, vector<1x1x16xf32>,
      %parallel_loop3A_193 = vector.shape_cast %parallel_loop3A_192 : vector<1x1x16xf32> to vector<16xf32>
      %parallel_loop3A_194 = vector.shape_cast %parallel_loop3A_187 : vector<16xf32> to vector<1x1x16xf32>
      tpu.vector_store %arg6[%parallel_loop3A_189, %parallel_loop3A_190, %parallel_loop3A_191], %parallel_loop3A_194 {strides = array<i32>} : memref<2x96x128xf32, #tpu.memory_space<vmem>>, vector<1x1x16xf32>,
      %parallel_loop3A_195 = arith.index_cast %parallel_loop3A_183 : i32 to index
      %parallel_loop3A_196 = arith.constant 16 : index
      %parallel_loop3A_197 = tpu.vector_load %arg5[%parallel_loop3A_195, %parallel_loop3A_196] {strides = array<i32>} : memref<512x128xf32, #tpu.memory_space<vmem>>, vector<1x16xf32>,
      %parallel_loop3A_198 = vector.shape_cast %parallel_loop3A_197 : vector<1x16xf32> to vector<16xf32>
      %parallel_loop3A_199 = arith.constant 0 : i32
      %parallel_loop3A_200 = arith.index_cast %parallel_loop3A_199 : i32 to index
      %parallel_loop3A_201 = arith.index_cast %parallel_loop3A_179 : i32 to index
      %parallel_loop3A_202 = arith.constant 16 : index
      %parallel_loop3A_203 = tpu.vector_load %arg6[%parallel_loop3A_200, %parallel_loop3A_201, %parallel_loop3A_202] {strides = array<i32>} : memref<2x96x128xf32, #tpu.memory_space<vmem>>, vector<1x1x16xf32>,
      %parallel_loop3A_204 = vector.shape_cast %parallel_loop3A_203 : vector<1x1x16xf32> to vector<16xf32>
      %parallel_loop3A_205 = vector.shape_cast %parallel_loop3A_198 : vector<16xf32> to vector<1x1x16xf32>
      tpu.vector_store %arg6[%parallel_loop3A_200, %parallel_loop3A_201, %parallel_loop3A_202], %parallel_loop3A_205 {strides = array<i32>} : memref<2x96x128xf32, #tpu.memory_space<vmem>>, vector<1x1x16xf32>,
      %parallel_loop3A_206 = arith.index_cast %parallel_loop3A_183 : i32 to index
      %parallel_loop3A_207 = arith.constant 32 : index
      %parallel_loop3A_208 = tpu.vector_load %arg5[%parallel_loop3A_206, %parallel_loop3A_207] {strides = array<i32>} : memref<512x128xf32, #tpu.memory_space<vmem>>, vector<1x16xf32>,
      %parallel_loop3A_209 = vector.shape_cast %parallel_loop3A_208 : vector<1x16xf32> to vector<16xf32>
      %parallel_loop3A_210 = arith.constant 0 : i32
      %parallel_loop3A_211 = arith.index_cast %parallel_loop3A_210 : i32 to index
      %parallel_loop3A_212 = arith.index_cast %parallel_loop3A_179 : i32 to index
      %parallel_loop3A_213 = arith.constant 32 : index
      %parallel_loop3A_214 = tpu.vector_load %arg6[%parallel_loop3A_211, %parallel_loop3A_212, %parallel_loop3A_213] {strides = array<i32>} : memref<2x96x128xf32, #tpu.memory_space<vmem>>, vector<1x1x16xf32>,
      %parallel_loop3A_215 = vector.shape_cast %parallel_loop3A_214 : vector<1x1x16xf32> to vector<16xf32>
      %parallel_loop3A_216 = vector.shape_cast %parallel_loop3A_209 : vector<16xf32> to vector<1x1x16xf32>
      tpu.vector_store %arg6[%parallel_loop3A_211, %parallel_loop3A_212, %parallel_loop3A_213], %parallel_loop3A_216 {strides = array<i32>} : memref<2x96x128xf32, #tpu.memory_space<vmem>>, vector<1x1x16xf32>,
      %parallel_loop3A_217 = arith.index_cast %parallel_loop3A_183 : i32 to index
      %parallel_loop3A_218 = arith.constant 48 : index
      %parallel_loop3A_219 = tpu.vector_load %arg5[%parallel_loop3A_217, %parallel_loop3A_218] {strides = array<i32>} : memref<512x128xf32, #tpu.memory_space<vmem>>, vector<1x16xf32>,
      %parallel_loop3A_220 = vector.shape_cast %parallel_loop3A_219 : vector<1x16xf32> to vector<16xf32>
      %parallel_loop3A_221 = arith.constant 0 : i32
      %parallel_loop3A_222 = arith.index_cast %parallel_loop3A_221 : i32 to index
      %parallel_loop3A_223 = arith.index_cast %parallel_loop3A_179 : i32 to index
      %parallel_loop3A_224 = arith.constant 48 : index
      %parallel_loop3A_225 = tpu.vector_load %arg6[%parallel_loop3A_222, %parallel_loop3A_223, %parallel_loop3A_224] {strides = array<i32>} : memref<2x96x128xf32, #tpu.memory_space<vmem>>, vector<1x1x16xf32>,
      %parallel_loop3A_226 = vector.shape_cast %parallel_loop3A_225 : vector<1x1x16xf32> to vector<16xf32>
      %parallel_loop3A_227 = vector.shape_cast %parallel_loop3A_220 : vector<16xf32> to vector<1x1x16xf32>
      tpu.vector_store %arg6[%parallel_loop3A_222, %parallel_loop3A_223, %parallel_loop3A_224], %parallel_loop3A_227 {strides = array<i32>} : memref<2x96x128xf32, #tpu.memory_space<vmem>>, vector<1x1x16xf32>,
      %parallel_loop3A_228 = arith.index_cast %parallel_loop3A_183 : i32 to index
      %parallel_loop3A_229 = arith.constant 64 : index
      %parallel_loop3A_230 = tpu.vector_load %arg5[%parallel_loop3A_228, %parallel_loop3A_229] {strides = array<i32>} : memref<512x128xf32, #tpu.memory_space<vmem>>, vector<1x16xf32>,
      %parallel_loop3A_231 = vector.shape_cast %parallel_loop3A_230 : vector<1x16xf32> to vector<16xf32>
      %parallel_loop3A_232 = arith.constant 0 : i32
      %parallel_loop3A_233 = arith.index_cast %parallel_loop3A_232 : i32 to index
      %parallel_loop3A_234 = arith.index_cast %parallel_loop3A_179 : i32 to index
      %parallel_loop3A_235 = arith.constant 64 : index
      %parallel_loop3A_236 = tpu.vector_load %arg6[%parallel_loop3A_233, %parallel_loop3A_234, %parallel_loop3A_235] {strides = array<i32>} : memref<2x96x128xf32, #tpu.memory_space<vmem>>, vector<1x1x16xf32>,
      %parallel_loop3A_237 = vector.shape_cast %parallel_loop3A_236 : vector<1x1x16xf32> to vector<16xf32>
      %parallel_loop3A_238 = vector.shape_cast %parallel_loop3A_231 : vector<16xf32> to vector<1x1x16xf32>
      tpu.vector_store %arg6[%parallel_loop3A_233, %parallel_loop3A_234, %parallel_loop3A_235], %parallel_loop3A_238 {strides = array<i32>} : memref<2x96x128xf32, #tpu.memory_space<vmem>>, vector<1x1x16xf32>,
      %parallel_loop3A_239 = arith.index_cast %parallel_loop3A_183 : i32 to index
      %parallel_loop3A_240 = arith.constant 80 : index
      %parallel_loop3A_241 = tpu.vector_load %arg5[%parallel_loop3A_239, %parallel_loop3A_240] {strides = array<i32>} : memref<512x128xf32, #tpu.memory_space<vmem>>, vector<1x16xf32>,
      %parallel_loop3A_242 = vector.shape_cast %parallel_loop3A_241 : vector<1x16xf32> to vector<16xf32>
      %parallel_loop3A_243 = arith.constant 0 : i32
      %parallel_loop3A_244 = arith.index_cast %parallel_loop3A_243 : i32 to index
      %parallel_loop3A_245 = arith.index_cast %parallel_loop3A_179 : i32 to index
      %parallel_loop3A_246 = arith.constant 80 : index
      %parallel_loop3A_247 = tpu.vector_load %arg6[%parallel_loop3A_244, %parallel_loop3A_245, %parallel_loop3A_246] {strides = array<i32>} : memref<2x96x128xf32, #tpu.memory_space<vmem>>, vector<1x1x16xf32>,
      %parallel_loop3A_248 = vector.shape_cast %parallel_loop3A_247 : vector<1x1x16xf32> to vector<16xf32>
      %parallel_loop3A_249 = vector.shape_cast %parallel_loop3A_242 : vector<16xf32> to vector<1x1x16xf32>
      tpu.vector_store %arg6[%parallel_loop3A_244, %parallel_loop3A_245, %parallel_loop3A_246], %parallel_loop3A_249 {strides = array<i32>} : memref<2x96x128xf32, #tpu.memory_space<vmem>>, vector<1x1x16xf32>,
      %parallel_loop3A_250 = arith.index_cast %parallel_loop3A_183 : i32 to index
      %parallel_loop3A_251 = arith.constant 96 : index
      %parallel_loop3A_252 = tpu.vector_load %arg5[%parallel_loop3A_250, %parallel_loop3A_251] {strides = array<i32>} : memref<512x128xf32, #tpu.memory_space<vmem>>, vector<1x16xf32>,
      %parallel_loop3A_253 = vector.shape_cast %parallel_loop3A_252 : vector<1x16xf32> to vector<16xf32>
      %parallel_loop3A_254 = arith.constant 0 : i32
      %parallel_loop3A_255 = arith.index_cast %parallel_loop3A_254 : i32 to index
      %parallel_loop3A_256 = arith.index_cast %parallel_loop3A_179 : i32 to index
      %parallel_loop3A_257 = arith.constant 96 : index
      %parallel_loop3A_258 = tpu.vector_load %arg6[%parallel_loop3A_255, %parallel_loop3A_256, %parallel_loop3A_257] {strides = array<i32>} : memref<2x96x128xf32, #tpu.memory_space<vmem>>, vector<1x1x16xf32>,
      %parallel_loop3A_259 = vector.shape_cast %parallel_loop3A_258 : vector<1x1x16xf32> to vector<16xf32>
      %parallel_loop3A_260 = vector.shape_cast %parallel_loop3A_253 : vector<16xf32> to vector<1x1x16xf32>
      tpu.vector_store %arg6[%parallel_loop3A_255, %parallel_loop3A_256, %parallel_loop3A_257], %parallel_loop3A_260 {strides = array<i32>} : memref<2x96x128xf32, #tpu.memory_space<vmem>>, vector<1x1x16xf32>,
      %parallel_loop3A_261 = arith.index_cast %parallel_loop3A_183 : i32 to index
      %parallel_loop3A_262 = arith.constant 112 : index
      %parallel_loop3A_263 = tpu.vector_load %arg5[%parallel_loop3A_261, %parallel_loop3A_262] {strides = array<i32>} : memref<512x128xf32, #tpu.memory_space<vmem>>, vector<1x16xf32>,
      %parallel_loop3A_264 = vector.shape_cast %parallel_loop3A_263 : vector<1x16xf32> to vector<16xf32>
      %parallel_loop3A_265 = arith.constant 0 : i32
      %parallel_loop3A_266 = arith.index_cast %parallel_loop3A_265 : i32 to index
      %parallel_loop3A_267 = arith.index_cast %parallel_loop3A_179 : i32 to index
      %parallel_loop3A_268 = arith.constant 112 : index
      %parallel_loop3A_269 = tpu.vector_load %arg6[%parallel_loop3A_266, %parallel_loop3A_267, %parallel_loop3A_268] {strides = array<i32>} : memref<2x96x128xf32, #tpu.memory_space<vmem>>, vector<1x1x16xf32>,
      %parallel_loop3A_270 = vector.shape_cast %parallel_loop3A_269 : vector<1x1x16xf32> to vector<16xf32>
      %parallel_loop3A_271 = vector.shape_cast %parallel_loop3A_264 : vector<16xf32> to vector<1x1x16xf32>
      tpu.vector_store %arg6[%parallel_loop3A_266, %parallel_loop3A_267, %parallel_loop3A_268], %parallel_loop3A_271 {strides = array<i32>} : memref<2x96x128xf32, #tpu.memory_space<vmem>>, vector<1x1x16xf32>,
    } {sc.loop_unroll_factor = 4 : i64, sc.parallel_access}
    %add3A_86 = arith.addi %add3A_34, %multiple_of3A_66 : i32
    %dma_start3A_87 = arith.constant 0 : i32
    %dma_start3A_88 = arith.constant 0 : i32
    %dma_start3A_89 = arith.constant 0 : i32
    %dma_start3A_90 = tpu.memref_slice %arg6[%dma_start3A_87, %dma_start3A_88, %dma_start3A_89] : memref<2x96x128xf32, #tpu.memory_space<vmem>> -> memref<1x96x128xf32, #tpu.memory_space<vmem>>
    %dma_start3A_91 = tpu.memref_squeeze %dma_start3A_90 : memref<1x96x128xf32, #tpu.memory_space<vmem>> -> memref<96x128xf32, #tpu.memory_space<vmem>>
    %dma_start3A_92 = tpu.memref_slice %arg4[%add3A_86, %multiple_of3A] : memref<160000x256xf32, #tpu.memory_space<hbm>> -> memref<96x128xf32, #tpu.memory_space<hbm>>
    %dma_start3A_93 = tpu.memref_slice %arg4[%add3A_86, %multiple_of3A] : memref<160000x256xf32, #tpu.memory_space<hbm>> -> memref<96x128xf32, #tpu.memory_space<hbm>>
    %dma_start3A_94 = arith.constant 0 : i32
    %dma_start3A_95 = arith.constant 0 : i32
    %dma_start3A_96 = tpu.memref_slice %arg6[%dma_start3A_87, %dma_start3A_94, %dma_start3A_95] : memref<2x96x128xf32, #tpu.memory_space<vmem>> -> memref<1x96x128xf32, #tpu.memory_space<vmem>>
    %dma_start3A_97 = tpu.memref_squeeze %dma_start3A_96 : memref<1x96x128xf32, #tpu.memory_space<vmem>> -> memref<96x128xf32, #tpu.memory_space<vmem>>
    tpu.enqueue_dma source(%dma_start3A_97 : memref<96x128xf32, #tpu.memory_space<vmem>>) target(%dma_start3A_93 : memref<96x128xf32, #tpu.memory_space<hbm>>) target_semaphore(%arg11 : memref<!tpu.dma_semaphore, #tpu.memory_space<semaphore_mem>>)
    %multiple_of3A_98 = arith.constant 96 : i32
    %multiple_of3A_99 = tpu.assume_multiple %multiple_of3A_98, 8 : i32
    %dma_wait3A_100 = arith.constant 1 : i32
    %dma_wait3A_101 = arith.constant 0 : i32
    %dma_wait3A_102 = tpu.memref_slice %arg9[%dma_wait3A_100, %dma_wait3A_101] : memref<2x96xi32, #tpu.memory_space<smem>> -> memref<1x96xi32, #tpu.memory_space<smem>>
    %dma_wait3A_103 = tpu.memref_squeeze %dma_wait3A_102 : memref<1x96xi32, #tpu.memory_space<smem>> -> memref<96xi32, #tpu.memory_space<smem>>
    %dma_wait3A_104 = tpu.memref_slice %arg8[%multiple_of3A_45] : memref<160000xi32, #tpu.memory_space<vmem_shared>> -> memref<96xi32, #tpu.memory_space<vmem_shared>>
    tpu.wait_dma2 semaphore(%arg14 : memref<!tpu.dma_semaphore, #tpu.memory_space<semaphore_mem>>) src(%dma_wait3A_104 : memref<96xi32, #tpu.memory_space<vmem_shared>>) dst(%dma_wait3A_103 : memref<96xi32, #tpu.memory_space<smem>>)
    %min3A_105 = arith.constant 2 : i32
    %min3A_106 = arith.constant 103 : i32
    %min3A_107 = arith.minsi %min3A_105, %min3A_106 : i32
    %mul3A_108 = arith.constant 96 : i32
    %mul3A_109 = arith.muli %min3A_107, %mul3A_108 : i32
    %multiple_of3A_110 = tpu.assume_multiple %mul3A_109, 8 : i32
    %add3A_111 = arith.addi %multiple_of3A_45, %multiple_of3A_110 : i32
    %dma_start3A_112 = arith.constant 0 : i32
    %dma_start3A_113 = arith.constant 0 : i32
    %dma_start3A_114 = tpu.memref_slice %arg9[%dma_start3A_112, %dma_start3A_113] : memref<2x96xi32, #tpu.memory_space<smem>> -> memref<1x96xi32, #tpu.memory_space<smem>>
    %dma_start3A_115 = tpu.memref_squeeze %dma_start3A_114 : memref<1x96xi32, #tpu.memory_space<smem>> -> memref<96xi32, #tpu.memory_space<smem>>
    %dma_start3A_116 = tpu.memref_slice %arg8[%add3A_111] : memref<160000xi32, #tpu.memory_space<vmem_shared>> -> memref<96xi32, #tpu.memory_space<vmem_shared>>
    tpu.enqueue_dma source(%dma_start3A_116 : memref<96xi32, #tpu.memory_space<vmem_shared>>) target(%dma_start3A_115 : memref<96xi32, #tpu.memory_space<smem>>) target_semaphore(%arg14 : memref<!tpu.dma_semaphore, #tpu.memory_space<semaphore_mem>>)
    %parallel_loop3A_117 = arith.constant 0 : i32
    %parallel_loop3A_118 = arith.constant 96 : i32
    %parallel_loop3A_119 = arith.constant 1 : i32
    scf.for %parallel_loop3A_179 = %parallel_loop3A_117 to %parallel_loop3A_118 step %parallel_loop3A_119  : i32 {
      %parallel_loop3A_180 = arith.constant 1 : i32
      %parallel_loop3A_181 = arith.index_cast %parallel_loop3A_180 : i32 to index
      %parallel_loop3A_182 = arith.index_cast %parallel_loop3A_179 : i32 to index
      %parallel_loop3A_183 = memref.load %arg9[%parallel_loop3A_181, %parallel_loop3A_182] : memref<2x96xi32, #tpu.memory_space<smem>>
      %parallel_loop3A_184 = arith.index_cast %parallel_loop3A_183 : i32 to index
      %parallel_loop3A_185 = arith.constant 0 : index
      %parallel_loop3A_186 = tpu.vector_load %arg5[%parallel_loop3A_184, %parallel_loop3A_185] {strides = array<i32>} : memref<512x128xf32, #tpu.memory_space<vmem>>, vector<1x16xf32>,
      %parallel_loop3A_187 = vector.shape_cast %parallel_loop3A_186 : vector<1x16xf32> to vector<16xf32>
      %parallel_loop3A_188 = arith.constant 1 : i32
      %parallel_loop3A_189 = arith.index_cast %parallel_loop3A_188 : i32 to index
      %parallel_loop3A_190 = arith.index_cast %parallel_loop3A_179 : i32 to index
      %parallel_loop3A_191 = arith.constant 0 : index
      %parallel_loop3A_192 = tpu.vector_load %arg6[%parallel_loop3A_189, %parallel_loop3A_190, %parallel_loop3A_191] {strides = array<i32>} : memref<2x96x128xf32, #tpu.memory_space<vmem>>, vector<1x1x16xf32>,
      %parallel_loop3A_193 = vector.shape_cast %parallel_loop3A_192 : vector<1x1x16xf32> to vector<16xf32>
      %parallel_loop3A_194 = vector.shape_cast %parallel_loop3A_187 : vector<16xf32> to vector<1x1x16xf32>
      tpu.vector_store %arg6[%parallel_loop3A_189, %parallel_loop3A_190, %parallel_loop3A_191], %parallel_loop3A_194 {strides = array<i32>} : memref<2x96x128xf32, #tpu.memory_space<vmem>>, vector<1x1x16xf32>,
      %parallel_loop3A_195 = arith.index_cast %parallel_loop3A_183 : i32 to index
      %parallel_loop3A_196 = arith.constant 16 : index
      %parallel_loop3A_197 = tpu.vector_load %arg5[%parallel_loop3A_195, %parallel_loop3A_196] {strides = array<i32>} : memref<512x128xf32, #tpu.memory_space<vmem>>, vector<1x16xf32>,
      %parallel_loop3A_198 = vector.shape_cast %parallel_loop3A_197 : vector<1x16xf32> to vector<16xf32>
      %parallel_loop3A_199 = arith.constant 1 : i32
      %parallel_loop3A_200 = arith.index_cast %parallel_loop3A_199 : i32 to index
      %parallel_loop3A_201 = arith.index_cast %parallel_loop3A_179 : i32 to index
      %parallel_loop3A_202 = arith.constant 16 : index
      %parallel_loop3A_203 = tpu.vector_load %arg6[%parallel_loop3A_200, %parallel_loop3A_201, %parallel_loop3A_202] {strides = array<i32>} : memref<2x96x128xf32, #tpu.memory_space<vmem>>, vector<1x1x16xf32>,
      %parallel_loop3A_204 = vector.shape_cast %parallel_loop3A_203 : vector<1x1x16xf32> to vector<16xf32>
      %parallel_loop3A_205 = vector.shape_cast %parallel_loop3A_198 : vector<16xf32> to vector<1x1x16xf32>
      tpu.vector_store %arg6[%parallel_loop3A_200, %parallel_loop3A_201, %parallel_loop3A_202], %parallel_loop3A_205 {strides = array<i32>} : memref<2x96x128xf32, #tpu.memory_space<vmem>>, vector<1x1x16xf32>,
      %parallel_loop3A_206 = arith.index_cast %parallel_loop3A_183 : i32 to index
      %parallel_loop3A_207 = arith.constant 32 : index
      %parallel_loop3A_208 = tpu.vector_load %arg5[%parallel_loop3A_206, %parallel_loop3A_207] {strides = array<i32>} : memref<512x128xf32, #tpu.memory_space<vmem>>, vector<1x16xf32>,
      %parallel_loop3A_209 = vector.shape_cast %parallel_loop3A_208 : vector<1x16xf32> to vector<16xf32>
      %parallel_loop3A_210 = arith.constant 1 : i32
      %parallel_loop3A_211 = arith.index_cast %parallel_loop3A_210 : i32 to index
      %parallel_loop3A_212 = arith.index_cast %parallel_loop3A_179 : i32 to index
      %parallel_loop3A_213 = arith.constant 32 : index
      %parallel_loop3A_214 = tpu.vector_load %arg6[%parallel_loop3A_211, %parallel_loop3A_212, %parallel_loop3A_213] {strides = array<i32>} : memref<2x96x128xf32, #tpu.memory_space<vmem>>, vector<1x1x16xf32>,
      %parallel_loop3A_215 = vector.shape_cast %parallel_loop3A_214 : vector<1x1x16xf32> to vector<16xf32>
      %parallel_loop3A_216 = vector.shape_cast %parallel_loop3A_209 : vector<16xf32> to vector<1x1x16xf32>
      tpu.vector_store %arg6[%parallel_loop3A_211, %parallel_loop3A_212, %parallel_loop3A_213], %parallel_loop3A_216 {strides = array<i32>} : memref<2x96x128xf32, #tpu.memory_space<vmem>>, vector<1x1x16xf32>,
      %parallel_loop3A_217 = arith.index_cast %parallel_loop3A_183 : i32 to index
      %parallel_loop3A_218 = arith.constant 48 : index
      %parallel_loop3A_219 = tpu.vector_load %arg5[%parallel_loop3A_217, %parallel_loop3A_218] {strides = array<i32>} : memref<512x128xf32, #tpu.memory_space<vmem>>, vector<1x16xf32>,
      %parallel_loop3A_220 = vector.shape_cast %parallel_loop3A_219 : vector<1x16xf32> to vector<16xf32>
      %parallel_loop3A_221 = arith.constant 1 : i32
      %parallel_loop3A_222 = arith.index_cast %parallel_loop3A_221 : i32 to index
      %parallel_loop3A_223 = arith.index_cast %parallel_loop3A_179 : i32 to index
      %parallel_loop3A_224 = arith.constant 48 : index
      %parallel_loop3A_225 = tpu.vector_load %arg6[%parallel_loop3A_222, %parallel_loop3A_223, %parallel_loop3A_224] {strides = array<i32>} : memref<2x96x128xf32, #tpu.memory_space<vmem>>, vector<1x1x16xf32>,
      %parallel_loop3A_226 = vector.shape_cast %parallel_loop3A_225 : vector<1x1x16xf32> to vector<16xf32>
      %parallel_loop3A_227 = vector.shape_cast %parallel_loop3A_220 : vector<16xf32> to vector<1x1x16xf32>
      tpu.vector_store %arg6[%parallel_loop3A_222, %parallel_loop3A_223, %parallel_loop3A_224], %parallel_loop3A_227 {strides = array<i32>} : memref<2x96x128xf32, #tpu.memory_space<vmem>>, vector<1x1x16xf32>,
      %parallel_loop3A_228 = arith.index_cast %parallel_loop3A_183 : i32 to index
      %parallel_loop3A_229 = arith.constant 64 : index
      %parallel_loop3A_230 = tpu.vector_load %arg5[%parallel_loop3A_228, %parallel_loop3A_229] {strides = array<i32>} : memref<512x128xf32, #tpu.memory_space<vmem>>, vector<1x16xf32>,
      %parallel_loop3A_231 = vector.shape_cast %parallel_loop3A_230 : vector<1x16xf32> to vector<16xf32>
      %parallel_loop3A_232 = arith.constant 1 : i32
      %parallel_loop3A_233 = arith.index_cast %parallel_loop3A_232 : i32 to index
      %parallel_loop3A_234 = arith.index_cast %parallel_loop3A_179 : i32 to index
      %parallel_loop3A_235 = arith.constant 64 : index
      %parallel_loop3A_236 = tpu.vector_load %arg6[%parallel_loop3A_233, %parallel_loop3A_234, %parallel_loop3A_235] {strides = array<i32>} : memref<2x96x128xf32, #tpu.memory_space<vmem>>, vector<1x1x16xf32>,
      %parallel_loop3A_237 = vector.shape_cast %parallel_loop3A_236 : vector<1x1x16xf32> to vector<16xf32>
      %parallel_loop3A_238 = vector.shape_cast %parallel_loop3A_231 : vector<16xf32> to vector<1x1x16xf32>
      tpu.vector_store %arg6[%parallel_loop3A_233, %parallel_loop3A_234, %parallel_loop3A_235], %parallel_loop3A_238 {strides = array<i32>} : memref<2x96x128xf32, #tpu.memory_space<vmem>>, vector<1x1x16xf32>,
      %parallel_loop3A_239 = arith.index_cast %parallel_loop3A_183 : i32 to index
      %parallel_loop3A_240 = arith.constant 80 : index
      %parallel_loop3A_241 = tpu.vector_load %arg5[%parallel_loop3A_239, %parallel_loop3A_240] {strides = array<i32>} : memref<512x128xf32, #tpu.memory_space<vmem>>, vector<1x16xf32>,
      %parallel_loop3A_242 = vector.shape_cast %parallel_loop3A_241 : vector<1x16xf32> to vector<16xf32>
      %parallel_loop3A_243 = arith.constant 1 : i32
      %parallel_loop3A_244 = arith.index_cast %parallel_loop3A_243 : i32 to index
      %parallel_loop3A_245 = arith.index_cast %parallel_loop3A_179 : i32 to index
      %parallel_loop3A_246 = arith.constant 80 : index
      %parallel_loop3A_247 = tpu.vector_load %arg6[%parallel_loop3A_244, %parallel_loop3A_245, %parallel_loop3A_246] {strides = array<i32>} : memref<2x96x128xf32, #tpu.memory_space<vmem>>, vector<1x1x16xf32>,
      %parallel_loop3A_248 = vector.shape_cast %parallel_loop3A_247 : vector<1x1x16xf32> to vector<16xf32>
      %parallel_loop3A_249 = vector.shape_cast %parallel_loop3A_242 : vector<16xf32> to vector<1x1x16xf32>
      tpu.vector_store %arg6[%parallel_loop3A_244, %parallel_loop3A_245, %parallel_loop3A_246], %parallel_loop3A_249 {strides = array<i32>} : memref<2x96x128xf32, #tpu.memory_space<vmem>>, vector<1x1x16xf32>,
      %parallel_loop3A_250 = arith.index_cast %parallel_loop3A_183 : i32 to index
      %parallel_loop3A_251 = arith.constant 96 : index
      %parallel_loop3A_252 = tpu.vector_load %arg5[%parallel_loop3A_250, %parallel_loop3A_251] {strides = array<i32>} : memref<512x128xf32, #tpu.memory_space<vmem>>, vector<1x16xf32>,
      %parallel_loop3A_253 = vector.shape_cast %parallel_loop3A_252 : vector<1x16xf32> to vector<16xf32>
      %parallel_loop3A_254 = arith.constant 1 : i32
      %parallel_loop3A_255 = arith.index_cast %parallel_loop3A_254 : i32 to index
      %parallel_loop3A_256 = arith.index_cast %parallel_loop3A_179 : i32 to index
      %parallel_loop3A_257 = arith.constant 96 : index
      %parallel_loop3A_258 = tpu.vector_load %arg6[%parallel_loop3A_255, %parallel_loop3A_256, %parallel_loop3A_257] {strides = array<i32>} : memref<2x96x128xf32, #tpu.memory_space<vmem>>, vector<1x1x16xf32>,
      %parallel_loop3A_259 = vector.shape_cast %parallel_loop3A_258 : vector<1x1x16xf32> to vector<16xf32>
      %parallel_loop3A_260 = vector.shape_cast %parallel_loop3A_253 : vector<16xf32> to vector<1x1x16xf32>
      tpu.vector_store %arg6[%parallel_loop3A_255, %parallel_loop3A_256, %parallel_loop3A_257], %parallel_loop3A_260 {strides = array<i32>} : memref<2x96x128xf32, #tpu.memory_space<vmem>>, vector<1x1x16xf32>,
      %parallel_loop3A_261 = arith.index_cast %parallel_loop3A_183 : i32 to index
      %parallel_loop3A_262 = arith.constant 112 : index
      %parallel_loop3A_263 = tpu.vector_load %arg5[%parallel_loop3A_261, %parallel_loop3A_262] {strides = array<i32>} : memref<512x128xf32, #tpu.memory_space<vmem>>, vector<1x16xf32>,
      %parallel_loop3A_264 = vector.shape_cast %parallel_loop3A_263 : vector<1x16xf32> to vector<16xf32>
      %parallel_loop3A_265 = arith.constant 1 : i32
      %parallel_loop3A_266 = arith.index_cast %parallel_loop3A_265 : i32 to index
      %parallel_loop3A_267 = arith.index_cast %parallel_loop3A_179 : i32 to index
      %parallel_loop3A_268 = arith.constant 112 : index
      %parallel_loop3A_269 = tpu.vector_load %arg6[%parallel_loop3A_266, %parallel_loop3A_267, %parallel_loop3A_268] {strides = array<i32>} : memref<2x96x128xf32, #tpu.memory_space<vmem>>, vector<1x1x16xf32>,
      %parallel_loop3A_270 = vector.shape_cast %parallel_loop3A_269 : vector<1x1x16xf32> to vector<16xf32>
      %parallel_loop3A_271 = vector.shape_cast %parallel_loop3A_264 : vector<16xf32> to vector<1x1x16xf32>
      tpu.vector_store %arg6[%parallel_loop3A_266, %parallel_loop3A_267, %parallel_loop3A_268], %parallel_loop3A_271 {strides = array<i32>} : memref<2x96x128xf32, #tpu.memory_space<vmem>>, vector<1x1x16xf32>,
    } {sc.loop_unroll_factor = 4 : i64, sc.parallel_access}
    %add3A_120 = arith.addi %add3A_34, %multiple_of3A_99 : i32
    %dma_start3A_121 = arith.constant 1 : i32
    %dma_start3A_122 = arith.constant 0 : i32
    %dma_start3A_123 = arith.constant 0 : i32
    %dma_start3A_124 = tpu.memref_slice %arg6[%dma_start3A_121, %dma_start3A_122, %dma_start3A_123] : memref<2x96x128xf32, #tpu.memory_space<vmem>> -> memref<1x96x128xf32, #tpu.memory_space<vmem>>
    %dma_start3A_125 = tpu.memref_squeeze %dma_start3A_124 : memref<1x96x128xf32, #tpu.memory_space<vmem>> -> memref<96x128xf32, #tpu.memory_space<vmem>>
    %dma_start3A_126 = tpu.memref_slice %arg4[%add3A_120, %multiple_of3A] : memref<160000x256xf32, #tpu.memory_space<hbm>> -> memref<96x128xf32, #tpu.memory_space<hbm>>
    %dma_start3A_127 = tpu.memref_slice %arg4[%add3A_120, %multiple_of3A] : memref<160000x256xf32, #tpu.memory_space<hbm>> -> memref<96x128xf32, #tpu.memory_space<hbm>>
    %dma_start3A_128 = arith.constant 0 : i32
    %dma_start3A_129 = arith.constant 0 : i32
    %dma_start3A_130 = tpu.memref_slice %arg6[%dma_start3A_121, %dma_start3A_128, %dma_start3A_129] : memref<2x96x128xf32, #tpu.memory_space<vmem>> -> memref<1x96x128xf32, #tpu.memory_space<vmem>>
    %dma_start3A_131 = tpu.memref_squeeze %dma_start3A_130 : memref<1x96x128xf32, #tpu.memory_space<vmem>> -> memref<96x128xf32, #tpu.memory_space<vmem>>
    tpu.enqueue_dma source(%dma_start3A_131 : memref<96x128xf32, #tpu.memory_space<vmem>>) target(%dma_start3A_127 : memref<96x128xf32, #tpu.memory_space<hbm>>) target_semaphore(%arg12 : memref<!tpu.dma_semaphore, #tpu.memory_space<semaphore_mem>>)
    %scan3A = arith.constant 0 : i32
    %scan3A_132 = arith.constant 1 : i32
    %scan3A_133 = arith.constant 51 : i32
    %scan3A_134 = arith.addi %scan3A_132, %scan3A_133 : i32
    %scan3A_135 = arith.constant 1 : i32
    scf.for %scan3A_179 = %scan3A_132 to %scan3A_134 step %scan3A_135  : i32 {
      %mul3A_180 = arith.constant 2 : i32
      %mul3A_181 = arith.muli %mul3A_180, %scan3A_179 : i32
      %add3A_182 = arith.constant 0 : i32
      %add3A_183 = arith.addi %mul3A_181, %add3A_182 : i32
      %mul3A_184 = arith.constant 96 : i32
      %mul3A_185 = arith.muli %add3A_183, %mul3A_184 : i32
      %multiple_of3A_186 = tpu.assume_multiple %mul3A_185, 8 : i32
      %dma_wait3A_187 = arith.constant 0 : i32
      %dma_wait3A_188 = arith.constant 0 : i32
      %dma_wait3A_189 = tpu.memref_slice %arg9[%dma_wait3A_187, %dma_wait3A_188] : memref<2x96xi32, #tpu.memory_space<smem>> -> memref<1x96xi32, #tpu.memory_space<smem>>
      %dma_wait3A_190 = tpu.memref_squeeze %dma_wait3A_189 : memref<1x96xi32, #tpu.memory_space<smem>> -> memref<96xi32, #tpu.memory_space<smem>>
      %dma_wait3A_191 = tpu.memref_slice %arg8[%multiple_of3A_45] : memref<160000xi32, #tpu.memory_space<vmem_shared>> -> memref<96xi32, #tpu.memory_space<vmem_shared>>
      tpu.wait_dma2 semaphore(%arg14 : memref<!tpu.dma_semaphore, #tpu.memory_space<semaphore_mem>>) src(%dma_wait3A_191 : memref<96xi32, #tpu.memory_space<vmem_shared>>) dst(%dma_wait3A_190 : memref<96xi32, #tpu.memory_space<smem>>)
      %add3A_192 = arith.constant 1 : i32
      %add3A_193 = arith.addi %add3A_183, %add3A_192 : i32
      %min3A_194 = arith.constant 103 : i32
      %min3A_195 = arith.minsi %add3A_193, %min3A_194 : i32
      %mul3A_196 = arith.constant 96 : i32
      %mul3A_197 = arith.muli %min3A_195, %mul3A_196 : i32
      %multiple_of3A_198 = tpu.assume_multiple %mul3A_197, 8 : i32
      %add3A_199 = arith.addi %multiple_of3A_45, %multiple_of3A_198 : i32
      %dma_start3A_200 = arith.constant 1 : i32
      %dma_start3A_201 = arith.constant 0 : i32
      %dma_start3A_202 = tpu.memref_slice %arg9[%dma_start3A_200, %dma_start3A_201] : memref<2x96xi32, #tpu.memory_space<smem>> -> memref<1x96xi32, #tpu.memory_space<smem>>
      %dma_start3A_203 = tpu.memref_squeeze %dma_start3A_202 : memref<1x96xi32, #tpu.memory_space<smem>> -> memref<96xi32, #tpu.memory_space<smem>>
      %dma_start3A_204 = tpu.memref_slice %arg8[%add3A_199] : memref<160000xi32, #tpu.memory_space<vmem_shared>> -> memref<96xi32, #tpu.memory_space<vmem_shared>>
      tpu.enqueue_dma source(%dma_start3A_204 : memref<96xi32, #tpu.memory_space<vmem_shared>>) target(%dma_start3A_203 : memref<96xi32, #tpu.memory_space<smem>>) target_semaphore(%arg14 : memref<!tpu.dma_semaphore, #tpu.memory_space<semaphore_mem>>)
      %dma_wait3A_205 = arith.constant 0 : i32
      %dma_wait3A_206 = arith.constant 0 : i32
      %dma_wait3A_207 = arith.constant 0 : i32
      %dma_wait3A_208 = tpu.memref_slice %arg6[%dma_wait3A_205, %dma_wait3A_206, %dma_wait3A_207] : memref<2x96x128xf32, #tpu.memory_space<vmem>> -> memref<1x96x128xf32, #tpu.memory_space<vmem>>
      %dma_wait3A_209 = tpu.memref_squeeze %dma_wait3A_208 : memref<1x96x128xf32, #tpu.memory_space<vmem>> -> memref<96x128xf32, #tpu.memory_space<vmem>>
      %dma_wait3A_210 = arith.constant 0 : i32
      %dma_wait3A_211 = arith.constant 0 : i32
      %dma_wait3A_212 = tpu.memref_slice %arg4[%dma_wait3A_210, %dma_wait3A_211] : memref<160000x256xf32, #tpu.memory_space<hbm>> -> memref<96x128xf32, #tpu.memory_space<hbm>>
      %dma_wait3A_213 = arith.constant 0 : i32
      %dma_wait3A_214 = arith.constant 0 : i32
      %dma_wait3A_215 = tpu.memref_slice %arg4[%dma_wait3A_213, %dma_wait3A_214] : memref<160000x256xf32, #tpu.memory_space<hbm>> -> memref<96x128xf32, #tpu.memory_space<hbm>>
      %dma_wait3A_216 = arith.constant 0 : i32
      %dma_wait3A_217 = arith.constant 0 : i32
      %dma_wait3A_218 = tpu.memref_slice %arg6[%dma_wait3A_205, %dma_wait3A_216, %dma_wait3A_217] : memref<2x96x128xf32, #tpu.memory_space<vmem>> -> memref<1x96x128xf32, #tpu.memory_space<vmem>>
      %dma_wait3A_219 = tpu.memref_squeeze %dma_wait3A_218 : memref<1x96x128xf32, #tpu.memory_space<vmem>> -> memref<96x128xf32, #tpu.memory_space<vmem>>
      tpu.wait_dma2 semaphore(%arg11 : memref<!tpu.dma_semaphore, #tpu.memory_space<semaphore_mem>>) src(%dma_wait3A_219 : memref<96x128xf32, #tpu.memory_space<vmem>>) dst(%dma_wait3A_215 : memref<96x128xf32, #tpu.memory_space<hbm>>)
      %parallel_loop3A_220 = arith.constant 0 : i32
      %parallel_loop3A_221 = arith.constant 96 : i32
      %parallel_loop3A_222 = arith.constant 1 : i32
      scf.for %parallel_loop3A_290 = %parallel_loop3A_220 to %parallel_loop3A_221 step %parallel_loop3A_222  : i32 {
        %parallel_loop3A_291 = arith.constant 0 : i32
        %parallel_loop3A_292 = arith.index_cast %parallel_loop3A_291 : i32 to index
        %parallel_loop3A_293 = arith.index_cast %parallel_loop3A_290 : i32 to index
        %parallel_loop3A_294 = memref.load %arg9[%parallel_loop3A_292, %parallel_loop3A_293] : memref<2x96xi32, #tpu.memory_space<smem>>
        %parallel_loop3A_295 = arith.index_cast %parallel_loop3A_294 : i32 to index
        %parallel_loop3A_296 = arith.constant 0 : index
        %parallel_loop3A_297 = tpu.vector_load %arg5[%parallel_loop3A_295, %parallel_loop3A_296] {strides = array<i32>} : memref<512x128xf32, #tpu.memory_space<vmem>>, vector<1x16xf32>,
        %parallel_loop3A_298 = vector.shape_cast %parallel_loop3A_297 : vector<1x16xf32> to vector<16xf32>
        %parallel_loop3A_299 = arith.constant 0 : i32
        %parallel_loop3A_300 = arith.index_cast %parallel_loop3A_299 : i32 to index
        %parallel_loop3A_301 = arith.index_cast %parallel_loop3A_290 : i32 to index
        %parallel_loop3A_302 = arith.constant 0 : index
        %parallel_loop3A_303 = tpu.vector_load %arg6[%parallel_loop3A_300, %parallel_loop3A_301, %parallel_loop3A_302] {strides = array<i32>} : memref<2x96x128xf32, #tpu.memory_space<vmem>>, vector<1x1x16xf32>,
        %parallel_loop3A_304 = vector.shape_cast %parallel_loop3A_303 : vector<1x1x16xf32> to vector<16xf32>
        %parallel_loop3A_305 = vector.shape_cast %parallel_loop3A_298 : vector<16xf32> to vector<1x1x16xf32>
        tpu.vector_store %arg6[%parallel_loop3A_300, %parallel_loop3A_301, %parallel_loop3A_302], %parallel_loop3A_305 {strides = array<i32>} : memref<2x96x128xf32, #tpu.memory_space<vmem>>, vector<1x1x16xf32>,
        %parallel_loop3A_306 = arith.index_cast %parallel_loop3A_294 : i32 to index
        %parallel_loop3A_307 = arith.constant 16 : index
        %parallel_loop3A_308 = tpu.vector_load %arg5[%parallel_loop3A_306, %parallel_loop3A_307] {strides = array<i32>} : memref<512x128xf32, #tpu.memory_space<vmem>>, vector<1x16xf32>,
        %parallel_loop3A_309 = vector.shape_cast %parallel_loop3A_308 : vector<1x16xf32> to vector<16xf32>
        %parallel_loop3A_310 = arith.constant 0 : i32
        %parallel_loop3A_311 = arith.index_cast %parallel_loop3A_310 : i32 to index
        %parallel_loop3A_312 = arith.index_cast %parallel_loop3A_290 : i32 to index
        %parallel_loop3A_313 = arith.constant 16 : index
        %parallel_loop3A_314 = tpu.vector_load %arg6[%parallel_loop3A_311, %parallel_loop3A_312, %parallel_loop3A_313] {strides = array<i32>} : memref<2x96x128xf32, #tpu.memory_space<vmem>>, vector<1x1x16xf32>,
        %parallel_loop3A_315 = vector.shape_cast %parallel_loop3A_314 : vector<1x1x16xf32> to vector<16xf32>
        %parallel_loop3A_316 = vector.shape_cast %parallel_loop3A_309 : vector<16xf32> to vector<1x1x16xf32>
        tpu.vector_store %arg6[%parallel_loop3A_311, %parallel_loop3A_312, %parallel_loop3A_313], %parallel_loop3A_316 {strides = array<i32>} : memref<2x96x128xf32, #tpu.memory_space<vmem>>, vector<1x1x16xf32>,
        %parallel_loop3A_317 = arith.index_cast %parallel_loop3A_294 : i32 to index
        %parallel_loop3A_318 = arith.constant 32 : index
        %parallel_loop3A_319 = tpu.vector_load %arg5[%parallel_loop3A_317, %parallel_loop3A_318] {strides = array<i32>} : memref<512x128xf32, #tpu.memory_space<vmem>>, vector<1x16xf32>,
        %parallel_loop3A_320 = vector.shape_cast %parallel_loop3A_319 : vector<1x16xf32> to vector<16xf32>
        %parallel_loop3A_321 = arith.constant 0 : i32
        %parallel_loop3A_322 = arith.index_cast %parallel_loop3A_321 : i32 to index
        %parallel_loop3A_323 = arith.index_cast %parallel_loop3A_290 : i32 to index
        %parallel_loop3A_324 = arith.constant 32 : index
        %parallel_loop3A_325 = tpu.vector_load %arg6[%parallel_loop3A_322, %parallel_loop3A_323, %parallel_loop3A_324] {strides = array<i32>} : memref<2x96x128xf32, #tpu.memory_space<vmem>>, vector<1x1x16xf32>,
        %parallel_loop3A_326 = vector.shape_cast %parallel_loop3A_325 : vector<1x1x16xf32> to vector<16xf32>
        %parallel_loop3A_327 = vector.shape_cast %parallel_loop3A_320 : vector<16xf32> to vector<1x1x16xf32>
        tpu.vector_store %arg6[%parallel_loop3A_322, %parallel_loop3A_323, %parallel_loop3A_324], %parallel_loop3A_327 {strides = array<i32>} : memref<2x96x128xf32, #tpu.memory_space<vmem>>, vector<1x1x16xf32>,
        %parallel_loop3A_328 = arith.index_cast %parallel_loop3A_294 : i32 to index
        %parallel_loop3A_329 = arith.constant 48 : index
        %parallel_loop3A_330 = tpu.vector_load %arg5[%parallel_loop3A_328, %parallel_loop3A_329] {strides = array<i32>} : memref<512x128xf32, #tpu.memory_space<vmem>>, vector<1x16xf32>,
        %parallel_loop3A_331 = vector.shape_cast %parallel_loop3A_330 : vector<1x16xf32> to vector<16xf32>
        %parallel_loop3A_332 = arith.constant 0 : i32
        %parallel_loop3A_333 = arith.index_cast %parallel_loop3A_332 : i32 to index
        %parallel_loop3A_334 = arith.index_cast %parallel_loop3A_290 : i32 to index
        %parallel_loop3A_335 = arith.constant 48 : index
        %parallel_loop3A_336 = tpu.vector_load %arg6[%parallel_loop3A_333, %parallel_loop3A_334, %parallel_loop3A_335] {strides = array<i32>} : memref<2x96x128xf32, #tpu.memory_space<vmem>>, vector<1x1x16xf32>,
        %parallel_loop3A_337 = vector.shape_cast %parallel_loop3A_336 : vector<1x1x16xf32> to vector<16xf32>
        %parallel_loop3A_338 = vector.shape_cast %parallel_loop3A_331 : vector<16xf32> to vector<1x1x16xf32>
        tpu.vector_store %arg6[%parallel_loop3A_333, %parallel_loop3A_334, %parallel_loop3A_335], %parallel_loop3A_338 {strides = array<i32>} : memref<2x96x128xf32, #tpu.memory_space<vmem>>, vector<1x1x16xf32>,
        %parallel_loop3A_339 = arith.index_cast %parallel_loop3A_294 : i32 to index
        %parallel_loop3A_340 = arith.constant 64 : index
        %parallel_loop3A_341 = tpu.vector_load %arg5[%parallel_loop3A_339, %parallel_loop3A_340] {strides = array<i32>} : memref<512x128xf32, #tpu.memory_space<vmem>>, vector<1x16xf32>,
        %parallel_loop3A_342 = vector.shape_cast %parallel_loop3A_341 : vector<1x16xf32> to vector<16xf32>
        %parallel_loop3A_343 = arith.constant 0 : i32
        %parallel_loop3A_344 = arith.index_cast %parallel_loop3A_343 : i32 to index
        %parallel_loop3A_345 = arith.index_cast %parallel_loop3A_290 : i32 to index
        %parallel_loop3A_346 = arith.constant 64 : index
        %parallel_loop3A_347 = tpu.vector_load %arg6[%parallel_loop3A_344, %parallel_loop3A_345, %parallel_loop3A_346] {strides = array<i32>} : memref<2x96x128xf32, #tpu.memory_space<vmem>>, vector<1x1x16xf32>,
        %parallel_loop3A_348 = vector.shape_cast %parallel_loop3A_347 : vector<1x1x16xf32> to vector<16xf32>
        %parallel_loop3A_349 = vector.shape_cast %parallel_loop3A_342 : vector<16xf32> to vector<1x1x16xf32>
        tpu.vector_store %arg6[%parallel_loop3A_344, %parallel_loop3A_345, %parallel_loop3A_346], %parallel_loop3A_349 {strides = array<i32>} : memref<2x96x128xf32, #tpu.memory_space<vmem>>, vector<1x1x16xf32>,
        %parallel_loop3A_350 = arith.index_cast %parallel_loop3A_294 : i32 to index
        %parallel_loop3A_351 = arith.constant 80 : index
        %parallel_loop3A_352 = tpu.vector_load %arg5[%parallel_loop3A_350, %parallel_loop3A_351] {strides = array<i32>} : memref<512x128xf32, #tpu.memory_space<vmem>>, vector<1x16xf32>,
        %parallel_loop3A_353 = vector.shape_cast %parallel_loop3A_352 : vector<1x16xf32> to vector<16xf32>
        %parallel_loop3A_354 = arith.constant 0 : i32
        %parallel_loop3A_355 = arith.index_cast %parallel_loop3A_354 : i32 to index
        %parallel_loop3A_356 = arith.index_cast %parallel_loop3A_290 : i32 to index
        %parallel_loop3A_357 = arith.constant 80 : index
        %parallel_loop3A_358 = tpu.vector_load %arg6[%parallel_loop3A_355, %parallel_loop3A_356, %parallel_loop3A_357] {strides = array<i32>} : memref<2x96x128xf32, #tpu.memory_space<vmem>>, vector<1x1x16xf32>,
        %parallel_loop3A_359 = vector.shape_cast %parallel_loop3A_358 : vector<1x1x16xf32> to vector<16xf32>
        %parallel_loop3A_360 = vector.shape_cast %parallel_loop3A_353 : vector<16xf32> to vector<1x1x16xf32>
        tpu.vector_store %arg6[%parallel_loop3A_355, %parallel_loop3A_356, %parallel_loop3A_357], %parallel_loop3A_360 {strides = array<i32>} : memref<2x96x128xf32, #tpu.memory_space<vmem>>, vector<1x1x16xf32>,
        %parallel_loop3A_361 = arith.index_cast %parallel_loop3A_294 : i32 to index
        %parallel_loop3A_362 = arith.constant 96 : index
        %parallel_loop3A_363 = tpu.vector_load %arg5[%parallel_loop3A_361, %parallel_loop3A_362] {strides = array<i32>} : memref<512x128xf32, #tpu.memory_space<vmem>>, vector<1x16xf32>,
        %parallel_loop3A_364 = vector.shape_cast %parallel_loop3A_363 : vector<1x16xf32> to vector<16xf32>
        %parallel_loop3A_365 = arith.constant 0 : i32
        %parallel_loop3A_366 = arith.index_cast %parallel_loop3A_365 : i32 to index
        %parallel_loop3A_367 = arith.index_cast %parallel_loop3A_290 : i32 to index
        %parallel_loop3A_368 = arith.constant 96 : index
        %parallel_loop3A_369 = tpu.vector_load %arg6[%parallel_loop3A_366, %parallel_loop3A_367, %parallel_loop3A_368] {strides = array<i32>} : memref<2x96x128xf32, #tpu.memory_space<vmem>>, vector<1x1x16xf32>,
        %parallel_loop3A_370 = vector.shape_cast %parallel_loop3A_369 : vector<1x1x16xf32> to vector<16xf32>
        %parallel_loop3A_371 = vector.shape_cast %parallel_loop3A_364 : vector<16xf32> to vector<1x1x16xf32>
        tpu.vector_store %arg6[%parallel_loop3A_366, %parallel_loop3A_367, %parallel_loop3A_368], %parallel_loop3A_371 {strides = array<i32>} : memref<2x96x128xf32, #tpu.memory_space<vmem>>, vector<1x1x16xf32>,
        %parallel_loop3A_372 = arith.index_cast %parallel_loop3A_294 : i32 to index
        %parallel_loop3A_373 = arith.constant 112 : index
        %parallel_loop3A_374 = tpu.vector_load %arg5[%parallel_loop3A_372, %parallel_loop3A_373] {strides = array<i32>} : memref<512x128xf32, #tpu.memory_space<vmem>>, vector<1x16xf32>,
        %parallel_loop3A_375 = vector.shape_cast %parallel_loop3A_374 : vector<1x16xf32> to vector<16xf32>
        %parallel_loop3A_376 = arith.constant 0 : i32
        %parallel_loop3A_377 = arith.index_cast %parallel_loop3A_376 : i32 to index
        %parallel_loop3A_378 = arith.index_cast %parallel_loop3A_290 : i32 to index
        %parallel_loop3A_379 = arith.constant 112 : index
        %parallel_loop3A_380 = tpu.vector_load %arg6[%parallel_loop3A_377, %parallel_loop3A_378, %parallel_loop3A_379] {strides = array<i32>} : memref<2x96x128xf32, #tpu.memory_space<vmem>>, vector<1x1x16xf32>,
        %parallel_loop3A_381 = vector.shape_cast %parallel_loop3A_380 : vector<1x1x16xf32> to vector<16xf32>
        %parallel_loop3A_382 = vector.shape_cast %parallel_loop3A_375 : vector<16xf32> to vector<1x1x16xf32>
        tpu.vector_store %arg6[%parallel_loop3A_377, %parallel_loop3A_378, %parallel_loop3A_379], %parallel_loop3A_382 {strides = array<i32>} : memref<2x96x128xf32, #tpu.memory_space<vmem>>, vector<1x1x16xf32>,
      } {sc.loop_unroll_factor = 4 : i64, sc.parallel_access}
      %add3A_223 = arith.addi %add3A_34, %multiple_of3A_186 : i32
      %dma_start3A_224 = arith.constant 0 : i32
      %dma_start3A_225 = arith.constant 0 : i32
      %dma_start3A_226 = arith.constant 0 : i32
      %dma_start3A_227 = tpu.memref_slice %arg6[%dma_start3A_224, %dma_start3A_225, %dma_start3A_226] : memref<2x96x128xf32, #tpu.memory_space<vmem>> -> memref<1x96x128xf32, #tpu.memory_space<vmem>>
      %dma_start3A_228 = tpu.memref_squeeze %dma_start3A_227 : memref<1x96x128xf32, #tpu.memory_space<vmem>> -> memref<96x128xf32, #tpu.memory_space<vmem>>
      %dma_start3A_229 = tpu.memref_slice %arg4[%add3A_223, %multiple_of3A] : memref<160000x256xf32, #tpu.memory_space<hbm>> -> memref<96x128xf32, #tpu.memory_space<hbm>>
      %dma_start3A_230 = tpu.memref_slice %arg4[%add3A_223, %multiple_of3A] : memref<160000x256xf32, #tpu.memory_space<hbm>> -> memref<96x128xf32, #tpu.memory_space<hbm>>
      %dma_start3A_231 = arith.constant 0 : i32
      %dma_start3A_232 = arith.constant 0 : i32
      %dma_start3A_233 = tpu.memref_slice %arg6[%dma_start3A_224, %dma_start3A_231, %dma_start3A_232] : memref<2x96x128xf32, #tpu.memory_space<vmem>> -> memref<1x96x128xf32, #tpu.memory_space<vmem>>
      %dma_start3A_234 = tpu.memref_squeeze %dma_start3A_233 : memref<1x96x128xf32, #tpu.memory_space<vmem>> -> memref<96x128xf32, #tpu.memory_space<vmem>>
      tpu.enqueue_dma source(%dma_start3A_234 : memref<96x128xf32, #tpu.memory_space<vmem>>) target(%dma_start3A_230 : memref<96x128xf32, #tpu.memory_space<hbm>>) target_semaphore(%arg11 : memref<!tpu.dma_semaphore, #tpu.memory_space<semaphore_mem>>)
      %mul3A_235 = arith.constant 2 : i32
      %mul3A_236 = arith.muli %mul3A_235, %scan3A_179 : i32
      %add3A_237 = arith.constant 1 : i32
      %add3A_238 = arith.addi %mul3A_236, %add3A_237 : i32
      %mul3A_239 = arith.constant 96 : i32
      %mul3A_240 = arith.muli %add3A_238, %mul3A_239 : i32
      %multiple_of3A_241 = tpu.assume_multiple %mul3A_240, 8 : i32
      %dma_wait3A_242 = arith.constant 1 : i32
      %dma_wait3A_243 = arith.constant 0 : i32
      %dma_wait3A_244 = tpu.memref_slice %arg9[%dma_wait3A_242, %dma_wait3A_243] : memref<2x96xi32, #tpu.memory_space<smem>> -> memref<1x96xi32, #tpu.memory_space<smem>>
      %dma_wait3A_245 = tpu.memref_squeeze %dma_wait3A_244 : memref<1x96xi32, #tpu.memory_space<smem>> -> memref<96xi32, #tpu.memory_space<smem>>
      %dma_wait3A_246 = tpu.memref_slice %arg8[%multiple_of3A_45] : memref<160000xi32, #tpu.memory_space<vmem_shared>> -> memref<96xi32, #tpu.memory_space<vmem_shared>>
      tpu.wait_dma2 semaphore(%arg14 : memref<!tpu.dma_semaphore, #tpu.memory_space<semaphore_mem>>) src(%dma_wait3A_246 : memref<96xi32, #tpu.memory_space<vmem_shared>>) dst(%dma_wait3A_245 : memref<96xi32, #tpu.memory_space<smem>>)
      %add3A_247 = arith.constant 1 : i32
      %add3A_248 = arith.addi %add3A_238, %add3A_247 : i32
      %min3A_249 = arith.constant 103 : i32
      %min3A_250 = arith.minsi %add3A_248, %min3A_249 : i32
      %mul3A_251 = arith.constant 96 : i32
      %mul3A_252 = arith.muli %min3A_250, %mul3A_251 : i32
      %multiple_of3A_253 = tpu.assume_multiple %mul3A_252, 8 : i32
      %add3A_254 = arith.addi %multiple_of3A_45, %multiple_of3A_253 : i32
      %dma_start3A_255 = arith.constant 0 : i32
      %dma_start3A_256 = arith.constant 0 : i32
      %dma_start3A_257 = tpu.memref_slice %arg9[%dma_start3A_255, %dma_start3A_256] : memref<2x96xi32, #tpu.memory_space<smem>> -> memref<1x96xi32, #tpu.memory_space<smem>>
      %dma_start3A_258 = tpu.memref_squeeze %dma_start3A_257 : memref<1x96xi32, #tpu.memory_space<smem>> -> memref<96xi32, #tpu.memory_space<smem>>
      %dma_start3A_259 = tpu.memref_slice %arg8[%add3A_254] : memref<160000xi32, #tpu.memory_space<vmem_shared>> -> memref<96xi32, #tpu.memory_space<vmem_shared>>
      tpu.enqueue_dma source(%dma_start3A_259 : memref<96xi32, #tpu.memory_space<vmem_shared>>) target(%dma_start3A_258 : memref<96xi32, #tpu.memory_space<smem>>) target_semaphore(%arg14 : memref<!tpu.dma_semaphore, #tpu.memory_space<semaphore_mem>>)
      %dma_wait3A_260 = arith.constant 1 : i32
      %dma_wait3A_261 = arith.constant 0 : i32
      %dma_wait3A_262 = arith.constant 0 : i32
      %dma_wait3A_263 = tpu.memref_slice %arg6[%dma_wait3A_260, %dma_wait3A_261, %dma_wait3A_262] : memref<2x96x128xf32, #tpu.memory_space<vmem>> -> memref<1x96x128xf32, #tpu.memory_space<vmem>>
      %dma_wait3A_264 = tpu.memref_squeeze %dma_wait3A_263 : memref<1x96x128xf32, #tpu.memory_space<vmem>> -> memref<96x128xf32, #tpu.memory_space<vmem>>
      %dma_wait3A_265 = arith.constant 0 : i32
      %dma_wait3A_266 = arith.constant 0 : i32
      %dma_wait3A_267 = tpu.memref_slice %arg4[%dma_wait3A_265, %dma_wait3A_266] : memref<160000x256xf32, #tpu.memory_space<hbm>> -> memref<96x128xf32, #tpu.memory_space<hbm>>
      %dma_wait3A_268 = arith.constant 0 : i32
      %dma_wait3A_269 = arith.constant 0 : i32
      %dma_wait3A_270 = tpu.memref_slice %arg4[%dma_wait3A_268, %dma_wait3A_269] : memref<160000x256xf32, #tpu.memory_space<hbm>> -> memref<96x128xf32, #tpu.memory_space<hbm>>
      %dma_wait3A_271 = arith.constant 0 : i32
      %dma_wait3A_272 = arith.constant 0 : i32
      %dma_wait3A_273 = tpu.memref_slice %arg6[%dma_wait3A_260, %dma_wait3A_271, %dma_wait3A_272] : memref<2x96x128xf32, #tpu.memory_space<vmem>> -> memref<1x96x128xf32, #tpu.memory_space<vmem>>
      %dma_wait3A_274 = tpu.memref_squeeze %dma_wait3A_273 : memref<1x96x128xf32, #tpu.memory_space<vmem>> -> memref<96x128xf32, #tpu.memory_space<vmem>>
      tpu.wait_dma2 semaphore(%arg12 : memref<!tpu.dma_semaphore, #tpu.memory_space<semaphore_mem>>) src(%dma_wait3A_274 : memref<96x128xf32, #tpu.memory_space<vmem>>) dst(%dma_wait3A_270 : memref<96x128xf32, #tpu.memory_space<hbm>>)
      %parallel_loop3A_275 = arith.constant 0 : i32
      %parallel_loop3A_276 = arith.constant 96 : i32
      %parallel_loop3A_277 = arith.constant 1 : i32
      scf.for %parallel_loop3A_290 = %parallel_loop3A_275 to %parallel_loop3A_276 step %parallel_loop3A_277  : i32 {
        %parallel_loop3A_291 = arith.constant 1 : i32
        %parallel_loop3A_292 = arith.index_cast %parallel_loop3A_291 : i32 to index
        %parallel_loop3A_293 = arith.index_cast %parallel_loop3A_290 : i32 to index
        %parallel_loop3A_294 = memref.load %arg9[%parallel_loop3A_292, %parallel_loop3A_293] : memref<2x96xi32, #tpu.memory_space<smem>>
        %parallel_loop3A_295 = arith.index_cast %parallel_loop3A_294 : i32 to index
        %parallel_loop3A_296 = arith.constant 0 : index
        %parallel_loop3A_297 = tpu.vector_load %arg5[%parallel_loop3A_295, %parallel_loop3A_296] {strides = array<i32>} : memref<512x128xf32, #tpu.memory_space<vmem>>, vector<1x16xf32>,
        %parallel_loop3A_298 = vector.shape_cast %parallel_loop3A_297 : vector<1x16xf32> to vector<16xf32>
        %parallel_loop3A_299 = arith.constant 1 : i32
        %parallel_loop3A_300 = arith.index_cast %parallel_loop3A_299 : i32 to index
        %parallel_loop3A_301 = arith.index_cast %parallel_loop3A_290 : i32 to index
        %parallel_loop3A_302 = arith.constant 0 : index
        %parallel_loop3A_303 = tpu.vector_load %arg6[%parallel_loop3A_300, %parallel_loop3A_301, %parallel_loop3A_302] {strides = array<i32>} : memref<2x96x128xf32, #tpu.memory_space<vmem>>, vector<1x1x16xf32>,
        %parallel_loop3A_304 = vector.shape_cast %parallel_loop3A_303 : vector<1x1x16xf32> to vector<16xf32>
        %parallel_loop3A_305 = vector.shape_cast %parallel_loop3A_298 : vector<16xf32> to vector<1x1x16xf32>
        tpu.vector_store %arg6[%parallel_loop3A_300, %parallel_loop3A_301, %parallel_loop3A_302], %parallel_loop3A_305 {strides = array<i32>} : memref<2x96x128xf32, #tpu.memory_space<vmem>>, vector<1x1x16xf32>,
        %parallel_loop3A_306 = arith.index_cast %parallel_loop3A_294 : i32 to index
        %parallel_loop3A_307 = arith.constant 16 : index
        %parallel_loop3A_308 = tpu.vector_load %arg5[%parallel_loop3A_306, %parallel_loop3A_307] {strides = array<i32>} : memref<512x128xf32, #tpu.memory_space<vmem>>, vector<1x16xf32>,
        %parallel_loop3A_309 = vector.shape_cast %parallel_loop3A_308 : vector<1x16xf32> to vector<16xf32>
        %parallel_loop3A_310 = arith.constant 1 : i32
        %parallel_loop3A_311 = arith.index_cast %parallel_loop3A_310 : i32 to index
        %parallel_loop3A_312 = arith.index_cast %parallel_loop3A_290 : i32 to index
        %parallel_loop3A_313 = arith.constant 16 : index
        %parallel_loop3A_314 = tpu.vector_load %arg6[%parallel_loop3A_311, %parallel_loop3A_312, %parallel_loop3A_313] {strides = array<i32>} : memref<2x96x128xf32, #tpu.memory_space<vmem>>, vector<1x1x16xf32>,
        %parallel_loop3A_315 = vector.shape_cast %parallel_loop3A_314 : vector<1x1x16xf32> to vector<16xf32>
        %parallel_loop3A_316 = vector.shape_cast %parallel_loop3A_309 : vector<16xf32> to vector<1x1x16xf32>
        tpu.vector_store %arg6[%parallel_loop3A_311, %parallel_loop3A_312, %parallel_loop3A_313], %parallel_loop3A_316 {strides = array<i32>} : memref<2x96x128xf32, #tpu.memory_space<vmem>>, vector<1x1x16xf32>,
        %parallel_loop3A_317 = arith.index_cast %parallel_loop3A_294 : i32 to index
        %parallel_loop3A_318 = arith.constant 32 : index
        %parallel_loop3A_319 = tpu.vector_load %arg5[%parallel_loop3A_317, %parallel_loop3A_318] {strides = array<i32>} : memref<512x128xf32, #tpu.memory_space<vmem>>, vector<1x16xf32>,
        %parallel_loop3A_320 = vector.shape_cast %parallel_loop3A_319 : vector<1x16xf32> to vector<16xf32>
        %parallel_loop3A_321 = arith.constant 1 : i32
        %parallel_loop3A_322 = arith.index_cast %parallel_loop3A_321 : i32 to index
        %parallel_loop3A_323 = arith.index_cast %parallel_loop3A_290 : i32 to index
        %parallel_loop3A_324 = arith.constant 32 : index
        %parallel_loop3A_325 = tpu.vector_load %arg6[%parallel_loop3A_322, %parallel_loop3A_323, %parallel_loop3A_324] {strides = array<i32>} : memref<2x96x128xf32, #tpu.memory_space<vmem>>, vector<1x1x16xf32>,
        %parallel_loop3A_326 = vector.shape_cast %parallel_loop3A_325 : vector<1x1x16xf32> to vector<16xf32>
        %parallel_loop3A_327 = vector.shape_cast %parallel_loop3A_320 : vector<16xf32> to vector<1x1x16xf32>
        tpu.vector_store %arg6[%parallel_loop3A_322, %parallel_loop3A_323, %parallel_loop3A_324], %parallel_loop3A_327 {strides = array<i32>} : memref<2x96x128xf32, #tpu.memory_space<vmem>>, vector<1x1x16xf32>,
        %parallel_loop3A_328 = arith.index_cast %parallel_loop3A_294 : i32 to index
        %parallel_loop3A_329 = arith.constant 48 : index
        %parallel_loop3A_330 = tpu.vector_load %arg5[%parallel_loop3A_328, %parallel_loop3A_329] {strides = array<i32>} : memref<512x128xf32, #tpu.memory_space<vmem>>, vector<1x16xf32>,
        %parallel_loop3A_331 = vector.shape_cast %parallel_loop3A_330 : vector<1x16xf32> to vector<16xf32>
        %parallel_loop3A_332 = arith.constant 1 : i32
        %parallel_loop3A_333 = arith.index_cast %parallel_loop3A_332 : i32 to index
        %parallel_loop3A_334 = arith.index_cast %parallel_loop3A_290 : i32 to index
        %parallel_loop3A_335 = arith.constant 48 : index
        %parallel_loop3A_336 = tpu.vector_load %arg6[%parallel_loop3A_333, %parallel_loop3A_334, %parallel_loop3A_335] {strides = array<i32>} : memref<2x96x128xf32, #tpu.memory_space<vmem>>, vector<1x1x16xf32>,
        %parallel_loop3A_337 = vector.shape_cast %parallel_loop3A_336 : vector<1x1x16xf32> to vector<16xf32>
        %parallel_loop3A_338 = vector.shape_cast %parallel_loop3A_331 : vector<16xf32> to vector<1x1x16xf32>
        tpu.vector_store %arg6[%parallel_loop3A_333, %parallel_loop3A_334, %parallel_loop3A_335], %parallel_loop3A_338 {strides = array<i32>} : memref<2x96x128xf32, #tpu.memory_space<vmem>>, vector<1x1x16xf32>,
        %parallel_loop3A_339 = arith.index_cast %parallel_loop3A_294 : i32 to index
        %parallel_loop3A_340 = arith.constant 64 : index
        %parallel_loop3A_341 = tpu.vector_load %arg5[%parallel_loop3A_339, %parallel_loop3A_340] {strides = array<i32>} : memref<512x128xf32, #tpu.memory_space<vmem>>, vector<1x16xf32>,
        %parallel_loop3A_342 = vector.shape_cast %parallel_loop3A_341 : vector<1x16xf32> to vector<16xf32>
        %parallel_loop3A_343 = arith.constant 1 : i32
        %parallel_loop3A_344 = arith.index_cast %parallel_loop3A_343 : i32 to index
        %parallel_loop3A_345 = arith.index_cast %parallel_loop3A_290 : i32 to index
        %parallel_loop3A_346 = arith.constant 64 : index
        %parallel_loop3A_347 = tpu.vector_load %arg6[%parallel_loop3A_344, %parallel_loop3A_345, %parallel_loop3A_346] {strides = array<i32>} : memref<2x96x128xf32, #tpu.memory_space<vmem>>, vector<1x1x16xf32>,
        %parallel_loop3A_348 = vector.shape_cast %parallel_loop3A_347 : vector<1x1x16xf32> to vector<16xf32>
        %parallel_loop3A_349 = vector.shape_cast %parallel_loop3A_342 : vector<16xf32> to vector<1x1x16xf32>
        tpu.vector_store %arg6[%parallel_loop3A_344, %parallel_loop3A_345, %parallel_loop3A_346], %parallel_loop3A_349 {strides = array<i32>} : memref<2x96x128xf32, #tpu.memory_space<vmem>>, vector<1x1x16xf32>,
        %parallel_loop3A_350 = arith.index_cast %parallel_loop3A_294 : i32 to index
        %parallel_loop3A_351 = arith.constant 80 : index
        %parallel_loop3A_352 = tpu.vector_load %arg5[%parallel_loop3A_350, %parallel_loop3A_351] {strides = array<i32>} : memref<512x128xf32, #tpu.memory_space<vmem>>, vector<1x16xf32>,
        %parallel_loop3A_353 = vector.shape_cast %parallel_loop3A_352 : vector<1x16xf32> to vector<16xf32>
        %parallel_loop3A_354 = arith.constant 1 : i32
        %parallel_loop3A_355 = arith.index_cast %parallel_loop3A_354 : i32 to index
        %parallel_loop3A_356 = arith.index_cast %parallel_loop3A_290 : i32 to index
        %parallel_loop3A_357 = arith.constant 80 : index
        %parallel_loop3A_358 = tpu.vector_load %arg6[%parallel_loop3A_355, %parallel_loop3A_356, %parallel_loop3A_357] {strides = array<i32>} : memref<2x96x128xf32, #tpu.memory_space<vmem>>, vector<1x1x16xf32>,
        %parallel_loop3A_359 = vector.shape_cast %parallel_loop3A_358 : vector<1x1x16xf32> to vector<16xf32>
        %parallel_loop3A_360 = vector.shape_cast %parallel_loop3A_353 : vector<16xf32> to vector<1x1x16xf32>
        tpu.vector_store %arg6[%parallel_loop3A_355, %parallel_loop3A_356, %parallel_loop3A_357], %parallel_loop3A_360 {strides = array<i32>} : memref<2x96x128xf32, #tpu.memory_space<vmem>>, vector<1x1x16xf32>,
        %parallel_loop3A_361 = arith.index_cast %parallel_loop3A_294 : i32 to index
        %parallel_loop3A_362 = arith.constant 96 : index
        %parallel_loop3A_363 = tpu.vector_load %arg5[%parallel_loop3A_361, %parallel_loop3A_362] {strides = array<i32>} : memref<512x128xf32, #tpu.memory_space<vmem>>, vector<1x16xf32>,
        %parallel_loop3A_364 = vector.shape_cast %parallel_loop3A_363 : vector<1x16xf32> to vector<16xf32>
        %parallel_loop3A_365 = arith.constant 1 : i32
        %parallel_loop3A_366 = arith.index_cast %parallel_loop3A_365 : i32 to index
        %parallel_loop3A_367 = arith.index_cast %parallel_loop3A_290 : i32 to index
        %parallel_loop3A_368 = arith.constant 96 : index
        %parallel_loop3A_369 = tpu.vector_load %arg6[%parallel_loop3A_366, %parallel_loop3A_367, %parallel_loop3A_368] {strides = array<i32>} : memref<2x96x128xf32, #tpu.memory_space<vmem>>, vector<1x1x16xf32>,
        %parallel_loop3A_370 = vector.shape_cast %parallel_loop3A_369 : vector<1x1x16xf32> to vector<16xf32>
        %parallel_loop3A_371 = vector.shape_cast %parallel_loop3A_364 : vector<16xf32> to vector<1x1x16xf32>
        tpu.vector_store %arg6[%parallel_loop3A_366, %parallel_loop3A_367, %parallel_loop3A_368], %parallel_loop3A_371 {strides = array<i32>} : memref<2x96x128xf32, #tpu.memory_space<vmem>>, vector<1x1x16xf32>,
        %parallel_loop3A_372 = arith.index_cast %parallel_loop3A_294 : i32 to index
        %parallel_loop3A_373 = arith.constant 112 : index
        %parallel_loop3A_374 = tpu.vector_load %arg5[%parallel_loop3A_372, %parallel_loop3A_373] {strides = array<i32>} : memref<512x128xf32, #tpu.memory_space<vmem>>, vector<1x16xf32>,
        %parallel_loop3A_375 = vector.shape_cast %parallel_loop3A_374 : vector<1x16xf32> to vector<16xf32>
        %parallel_loop3A_376 = arith.constant 1 : i32
        %parallel_loop3A_377 = arith.index_cast %parallel_loop3A_376 : i32 to index
        %parallel_loop3A_378 = arith.index_cast %parallel_loop3A_290 : i32 to index
        %parallel_loop3A_379 = arith.constant 112 : index
        %parallel_loop3A_380 = tpu.vector_load %arg6[%parallel_loop3A_377, %parallel_loop3A_378, %parallel_loop3A_379] {strides = array<i32>} : memref<2x96x128xf32, #tpu.memory_space<vmem>>, vector<1x1x16xf32>,
        %parallel_loop3A_381 = vector.shape_cast %parallel_loop3A_380 : vector<1x1x16xf32> to vector<16xf32>
        %parallel_loop3A_382 = vector.shape_cast %parallel_loop3A_375 : vector<16xf32> to vector<1x1x16xf32>
        tpu.vector_store %arg6[%parallel_loop3A_377, %parallel_loop3A_378, %parallel_loop3A_379], %parallel_loop3A_382 {strides = array<i32>} : memref<2x96x128xf32, #tpu.memory_space<vmem>>, vector<1x1x16xf32>,
      } {sc.loop_unroll_factor = 4 : i64, sc.parallel_access}
      %add3A_278 = arith.addi %add3A_34, %multiple_of3A_241 : i32
      %dma_start3A_279 = arith.constant 1 : i32
      %dma_start3A_280 = arith.constant 0 : i32
      %dma_start3A_281 = arith.constant 0 : i32
      %dma_start3A_282 = tpu.memref_slice %arg6[%dma_start3A_279, %dma_start3A_280, %dma_start3A_281] : memref<2x96x128xf32, #tpu.memory_space<vmem>> -> memref<1x96x128xf32, #tpu.memory_space<vmem>>
      %dma_start3A_283 = tpu.memref_squeeze %dma_start3A_282 : memref<1x96x128xf32, #tpu.memory_space<vmem>> -> memref<96x128xf32, #tpu.memory_space<vmem>>
      %dma_start3A_284 = tpu.memref_slice %arg4[%add3A_278, %multiple_of3A] : memref<160000x256xf32, #tpu.memory_space<hbm>> -> memref<96x128xf32, #tpu.memory_space<hbm>>
      %dma_start3A_285 = tpu.memref_slice %arg4[%add3A_278, %multiple_of3A] : memref<160000x256xf32, #tpu.memory_space<hbm>> -> memref<96x128xf32, #tpu.memory_space<hbm>>
      %dma_start3A_286 = arith.constant 0 : i32
      %dma_start3A_287 = arith.constant 0 : i32
      %dma_start3A_288 = tpu.memref_slice %arg6[%dma_start3A_279, %dma_start3A_286, %dma_start3A_287] : memref<2x96x128xf32, #tpu.memory_space<vmem>> -> memref<1x96x128xf32, #tpu.memory_space<vmem>>
      %dma_start3A_289 = tpu.memref_squeeze %dma_start3A_288 : memref<1x96x128xf32, #tpu.memory_space<vmem>> -> memref<96x128xf32, #tpu.memory_space<vmem>>
      tpu.enqueue_dma source(%dma_start3A_289 : memref<96x128xf32, #tpu.memory_space<vmem>>) target(%dma_start3A_285 : memref<96x128xf32, #tpu.memory_space<hbm>>) target_semaphore(%arg12 : memref<!tpu.dma_semaphore, #tpu.memory_space<semaphore_mem>>)
    }
    %scan3A_136 = arith.constant 51 : i32
    %dma_wait3A_137 = arith.constant 0 : i32
    %dma_wait3A_138 = arith.constant 0 : i32
    %dma_wait3A_139 = tpu.memref_slice %arg9[%dma_wait3A_137, %dma_wait3A_138] : memref<2x96xi32, #tpu.memory_space<smem>> -> memref<1x96xi32, #tpu.memory_space<smem>>
    %dma_wait3A_140 = tpu.memref_squeeze %dma_wait3A_139 : memref<1x96xi32, #tpu.memory_space<smem>> -> memref<96xi32, #tpu.memory_space<smem>>
    %dma_wait3A_141 = tpu.memref_slice %arg8[%multiple_of3A_45] : memref<160000xi32, #tpu.memory_space<vmem_shared>> -> memref<96xi32, #tpu.memory_space<vmem_shared>>
    tpu.wait_dma2 semaphore(%arg14 : memref<!tpu.dma_semaphore, #tpu.memory_space<semaphore_mem>>) src(%dma_wait3A_141 : memref<96xi32, #tpu.memory_space<vmem_shared>>) dst(%dma_wait3A_140 : memref<96xi32, #tpu.memory_space<smem>>)
    %dma_wait3A_142 = arith.constant 0 : i32
    %dma_wait3A_143 = arith.constant 0 : i32
    %dma_wait3A_144 = arith.constant 0 : i32
    %dma_wait3A_145 = tpu.memref_slice %arg6[%dma_wait3A_142, %dma_wait3A_143, %dma_wait3A_144] : memref<2x96x128xf32, #tpu.memory_space<vmem>> -> memref<1x96x128xf32, #tpu.memory_space<vmem>>
    %dma_wait3A_146 = tpu.memref_squeeze %dma_wait3A_145 : memref<1x96x128xf32, #tpu.memory_space<vmem>> -> memref<96x128xf32, #tpu.memory_space<vmem>>
    %dma_wait3A_147 = arith.constant 0 : i32
    %dma_wait3A_148 = arith.constant 0 : i32
    %dma_wait3A_149 = tpu.memref_slice %arg4[%dma_wait3A_147, %dma_wait3A_148] : memref<160000x256xf32, #tpu.memory_space<hbm>> -> memref<96x128xf32, #tpu.memory_space<hbm>>
    %dma_wait3A_150 = arith.constant 0 : i32
    %dma_wait3A_151 = arith.constant 0 : i32
    %dma_wait3A_152 = tpu.memref_slice %arg4[%dma_wait3A_150, %dma_wait3A_151] : memref<160000x256xf32, #tpu.memory_space<hbm>> -> memref<96x128xf32, #tpu.memory_space<hbm>>
    %dma_wait3A_153 = arith.constant 0 : i32
    %dma_wait3A_154 = arith.constant 0 : i32
    %dma_wait3A_155 = tpu.memref_slice %arg6[%dma_wait3A_142, %dma_wait3A_153, %dma_wait3A_154] : memref<2x96x128xf32, #tpu.memory_space<vmem>> -> memref<1x96x128xf32, #tpu.memory_space<vmem>>
    %dma_wait3A_156 = tpu.memref_squeeze %dma_wait3A_155 : memref<1x96x128xf32, #tpu.memory_space<vmem>> -> memref<96x128xf32, #tpu.memory_space<vmem>>
    tpu.wait_dma2 semaphore(%arg11 : memref<!tpu.dma_semaphore, #tpu.memory_space<semaphore_mem>>) src(%dma_wait3A_156 : memref<96x128xf32, #tpu.memory_space<vmem>>) dst(%dma_wait3A_152 : memref<96x128xf32, #tpu.memory_space<hbm>>)
    %dma_wait3A_157 = arith.constant 1 : i32
    %dma_wait3A_158 = arith.constant 0 : i32
    %dma_wait3A_159 = arith.constant 0 : i32
    %dma_wait3A_160 = tpu.memref_slice %arg6[%dma_wait3A_157, %dma_wait3A_158, %dma_wait3A_159] : memref<2x96x128xf32, #tpu.memory_space<vmem>> -> memref<1x96x128xf32, #tpu.memory_space<vmem>>
    %dma_wait3A_161 = tpu.memref_squeeze %dma_wait3A_160 : memref<1x96x128xf32, #tpu.memory_space<vmem>> -> memref<96x128xf32, #tpu.memory_space<vmem>>
    %dma_wait3A_162 = arith.constant 0 : i32
    %dma_wait3A_163 = arith.constant 0 : i32
    %dma_wait3A_164 = tpu.memref_slice %arg4[%dma_wait3A_162, %dma_wait3A_163] : memref<160000x256xf32, #tpu.memory_space<hbm>> -> memref<96x128xf32, #tpu.memory_space<hbm>>
    %dma_wait3A_165 = arith.constant 0 : i32
    %dma_wait3A_166 = arith.constant 0 : i32
    %dma_wait3A_167 = tpu.memref_slice %arg4[%dma_wait3A_165, %dma_wait3A_166] : memref<160000x256xf32, #tpu.memory_space<hbm>> -> memref<96x128xf32, #tpu.memory_space<hbm>>
    %dma_wait3A_168 = arith.constant 0 : i32
    %dma_wait3A_169 = arith.constant 0 : i32
    %dma_wait3A_170 = tpu.memref_slice %arg6[%dma_wait3A_157, %dma_wait3A_168, %dma_wait3A_169] : memref<2x96x128xf32, #tpu.memory_space<vmem>> -> memref<1x96x128xf32, #tpu.memory_space<vmem>>
    %dma_wait3A_171 = tpu.memref_squeeze %dma_wait3A_170 : memref<1x96x128xf32, #tpu.memory_space<vmem>> -> memref<96x128xf32, #tpu.memory_space<vmem>>
    tpu.wait_dma2 semaphore(%arg12 : memref<!tpu.dma_semaphore, #tpu.memory_space<semaphore_mem>>) src(%dma_wait3A_171 : memref<96x128xf32, #tpu.memory_space<vmem>>) dst(%dma_wait3A_167 : memref<96x128xf32, #tpu.memory_space<hbm>>)
    %add3A_172 = arith.constant 9984 : i32
    %add3A_173 = arith.addi %multiple_of3A_45, %add3A_172 : i32
    "tpu.region"() ({
      %run_scoped3A_179 = tpu.sem_alloc : memref<!tpu.dma_semaphore, #tpu.memory_space<semaphore_mem>>
      %dma_start3A_180 = tpu.memref_slice %arg8[%add3A_173] : memref<160000xi32, #tpu.memory_space<vmem_shared>> -> memref<16xi32, #tpu.memory_space<vmem_shared>>
      tpu.enqueue_dma source(%dma_start3A_180 : memref<16xi32, #tpu.memory_space<vmem_shared>>) target(%arg10 : memref<16xi32, #tpu.memory_space<smem>>) target_semaphore(%run_scoped3A_179 : memref<!tpu.dma_semaphore, #tpu.memory_space<semaphore_mem>>)
      %dma_wait3A_181 = tpu.memref_slice %arg8[%add3A_173] : memref<160000xi32, #tpu.memory_space<vmem_shared>> -> memref<16xi32, #tpu.memory_space<vmem_shared>>
      tpu.wait_dma2 semaphore(%run_scoped3A_179 : memref<!tpu.dma_semaphore, #tpu.memory_space<semaphore_mem>>) src(%dma_wait3A_181 : memref<16xi32, #tpu.memory_space<vmem_shared>>) dst(%arg10 : memref<16xi32, #tpu.memory_space<smem>>)
      tpu.yield
    }) : () -> ()
    %parallel_loop3A_174 = arith.constant 0 : i32
    %parallel_loop3A_175 = arith.constant 16 : i32
    %parallel_loop3A_176 = arith.constant 1 : i32
    scf.for %parallel_loop3A_179 = %parallel_loop3A_174 to %parallel_loop3A_175 step %parallel_loop3A_176  : i32 {
      %parallel_loop3A_180 = arith.index_cast %parallel_loop3A_179 : i32 to index
      %parallel_loop3A_181 = memref.load %arg10[%parallel_loop3A_180] : memref<16xi32, #tpu.memory_space<smem>>
      %parallel_loop3A_182 = arith.index_cast %parallel_loop3A_181 : i32 to index
      %parallel_loop3A_183 = arith.constant 0 : index
      %parallel_loop3A_184 = tpu.vector_load %arg5[%parallel_loop3A_182, %parallel_loop3A_183] {strides = array<i32>} : memref<512x128xf32, #tpu.memory_space<vmem>>, vector<1x16xf32>,
      %parallel_loop3A_185 = vector.shape_cast %parallel_loop3A_184 : vector<1x16xf32> to vector<16xf32>
      %parallel_loop3A_186 = arith.constant 0 : i32
      %parallel_loop3A_187 = arith.index_cast %parallel_loop3A_186 : i32 to index
      %parallel_loop3A_188 = arith.index_cast %parallel_loop3A_179 : i32 to index
      %parallel_loop3A_189 = arith.constant 0 : index
      %parallel_loop3A_190 = tpu.vector_load %arg6[%parallel_loop3A_187, %parallel_loop3A_188, %parallel_loop3A_189] {strides = array<i32>} : memref<2x96x128xf32, #tpu.memory_space<vmem>>, vector<1x1x16xf32>,
      %parallel_loop3A_191 = vector.shape_cast %parallel_loop3A_190 : vector<1x1x16xf32> to vector<16xf32>
      %parallel_loop3A_192 = vector.shape_cast %parallel_loop3A_185 : vector<16xf32> to vector<1x1x16xf32>
      tpu.vector_store %arg6[%parallel_loop3A_187, %parallel_loop3A_188, %parallel_loop3A_189], %parallel_loop3A_192 {strides = array<i32>} : memref<2x96x128xf32, #tpu.memory_space<vmem>>, vector<1x1x16xf32>,
      %parallel_loop3A_193 = arith.index_cast %parallel_loop3A_181 : i32 to index
      %parallel_loop3A_194 = arith.constant 16 : index
      %parallel_loop3A_195 = tpu.vector_load %arg5[%parallel_loop3A_193, %parallel_loop3A_194] {strides = array<i32>} : memref<512x128xf32, #tpu.memory_space<vmem>>, vector<1x16xf32>,
      %parallel_loop3A_196 = vector.shape_cast %parallel_loop3A_195 : vector<1x16xf32> to vector<16xf32>
      %parallel_loop3A_197 = arith.constant 0 : i32
      %parallel_loop3A_198 = arith.index_cast %parallel_loop3A_197 : i32 to index
      %parallel_loop3A_199 = arith.index_cast %parallel_loop3A_179 : i32 to index
      %parallel_loop3A_200 = arith.constant 16 : index
      %parallel_loop3A_201 = tpu.vector_load %arg6[%parallel_loop3A_198, %parallel_loop3A_199, %parallel_loop3A_200] {strides = array<i32>} : memref<2x96x128xf32, #tpu.memory_space<vmem>>, vector<1x1x16xf32>,
      %parallel_loop3A_202 = vector.shape_cast %parallel_loop3A_201 : vector<1x1x16xf32> to vector<16xf32>
      %parallel_loop3A_203 = vector.shape_cast %parallel_loop3A_196 : vector<16xf32> to vector<1x1x16xf32>
      tpu.vector_store %arg6[%parallel_loop3A_198, %parallel_loop3A_199, %parallel_loop3A_200], %parallel_loop3A_203 {strides = array<i32>} : memref<2x96x128xf32, #tpu.memory_space<vmem>>, vector<1x1x16xf32>,
      %parallel_loop3A_204 = arith.index_cast %parallel_loop3A_181 : i32 to index
      %parallel_loop3A_205 = arith.constant 32 : index
      %parallel_loop3A_206 = tpu.vector_load %arg5[%parallel_loop3A_204, %parallel_loop3A_205] {strides = array<i32>} : memref<512x128xf32, #tpu.memory_space<vmem>>, vector<1x16xf32>,
      %parallel_loop3A_207 = vector.shape_cast %parallel_loop3A_206 : vector<1x16xf32> to vector<16xf32>
      %parallel_loop3A_208 = arith.constant 0 : i32
      %parallel_loop3A_209 = arith.index_cast %parallel_loop3A_208 : i32 to index
      %parallel_loop3A_210 = arith.index_cast %parallel_loop3A_179 : i32 to index
      %parallel_loop3A_211 = arith.constant 32 : index
      %parallel_loop3A_212 = tpu.vector_load %arg6[%parallel_loop3A_209, %parallel_loop3A_210, %parallel_loop3A_211] {strides = array<i32>} : memref<2x96x128xf32, #tpu.memory_space<vmem>>, vector<1x1x16xf32>,
      %parallel_loop3A_213 = vector.shape_cast %parallel_loop3A_212 : vector<1x1x16xf32> to vector<16xf32>
      %parallel_loop3A_214 = vector.shape_cast %parallel_loop3A_207 : vector<16xf32> to vector<1x1x16xf32>
      tpu.vector_store %arg6[%parallel_loop3A_209, %parallel_loop3A_210, %parallel_loop3A_211], %parallel_loop3A_214 {strides = array<i32>} : memref<2x96x128xf32, #tpu.memory_space<vmem>>, vector<1x1x16xf32>,
      %parallel_loop3A_215 = arith.index_cast %parallel_loop3A_181 : i32 to index
      %parallel_loop3A_216 = arith.constant 48 : index
      %parallel_loop3A_217 = tpu.vector_load %arg5[%parallel_loop3A_215, %parallel_loop3A_216] {strides = array<i32>} : memref<512x128xf32, #tpu.memory_space<vmem>>, vector<1x16xf32>,
      %parallel_loop3A_218 = vector.shape_cast %parallel_loop3A_217 : vector<1x16xf32> to vector<16xf32>
      %parallel_loop3A_219 = arith.constant 0 : i32
      %parallel_loop3A_220 = arith.index_cast %parallel_loop3A_219 : i32 to index
      %parallel_loop3A_221 = arith.index_cast %parallel_loop3A_179 : i32 to index
      %parallel_loop3A_222 = arith.constant 48 : index
      %parallel_loop3A_223 = tpu.vector_load %arg6[%parallel_loop3A_220, %parallel_loop3A_221, %parallel_loop3A_222] {strides = array<i32>} : memref<2x96x128xf32, #tpu.memory_space<vmem>>, vector<1x1x16xf32>,
      %parallel_loop3A_224 = vector.shape_cast %parallel_loop3A_223 : vector<1x1x16xf32> to vector<16xf32>
      %parallel_loop3A_225 = vector.shape_cast %parallel_loop3A_218 : vector<16xf32> to vector<1x1x16xf32>
      tpu.vector_store %arg6[%parallel_loop3A_220, %parallel_loop3A_221, %parallel_loop3A_222], %parallel_loop3A_225 {strides = array<i32>} : memref<2x96x128xf32, #tpu.memory_space<vmem>>, vector<1x1x16xf32>,
      %parallel_loop3A_226 = arith.index_cast %parallel_loop3A_181 : i32 to index
      %parallel_loop3A_227 = arith.constant 64 : index
      %parallel_loop3A_228 = tpu.vector_load %arg5[%parallel_loop3A_226, %parallel_loop3A_227] {strides = array<i32>} : memref<512x128xf32, #tpu.memory_space<vmem>>, vector<1x16xf32>,
      %parallel_loop3A_229 = vector.shape_cast %parallel_loop3A_228 : vector<1x16xf32> to vector<16xf32>
      %parallel_loop3A_230 = arith.constant 0 : i32
      %parallel_loop3A_231 = arith.index_cast %parallel_loop3A_230 : i32 to index
      %parallel_loop3A_232 = arith.index_cast %parallel_loop3A_179 : i32 to index
      %parallel_loop3A_233 = arith.constant 64 : index
      %parallel_loop3A_234 = tpu.vector_load %arg6[%parallel_loop3A_231, %parallel_loop3A_232, %parallel_loop3A_233] {strides = array<i32>} : memref<2x96x128xf32, #tpu.memory_space<vmem>>, vector<1x1x16xf32>,
      %parallel_loop3A_235 = vector.shape_cast %parallel_loop3A_234 : vector<1x1x16xf32> to vector<16xf32>
      %parallel_loop3A_236 = vector.shape_cast %parallel_loop3A_229 : vector<16xf32> to vector<1x1x16xf32>
      tpu.vector_store %arg6[%parallel_loop3A_231, %parallel_loop3A_232, %parallel_loop3A_233], %parallel_loop3A_236 {strides = array<i32>} : memref<2x96x128xf32, #tpu.memory_space<vmem>>, vector<1x1x16xf32>,
      %parallel_loop3A_237 = arith.index_cast %parallel_loop3A_181 : i32 to index
      %parallel_loop3A_238 = arith.constant 80 : index
      %parallel_loop3A_239 = tpu.vector_load %arg5[%parallel_loop3A_237, %parallel_loop3A_238] {strides = array<i32>} : memref<512x128xf32, #tpu.memory_space<vmem>>, vector<1x16xf32>,
      %parallel_loop3A_240 = vector.shape_cast %parallel_loop3A_239 : vector<1x16xf32> to vector<16xf32>
      %parallel_loop3A_241 = arith.constant 0 : i32
      %parallel_loop3A_242 = arith.index_cast %parallel_loop3A_241 : i32 to index
      %parallel_loop3A_243 = arith.index_cast %parallel_loop3A_179 : i32 to index
      %parallel_loop3A_244 = arith.constant 80 : index
      %parallel_loop3A_245 = tpu.vector_load %arg6[%parallel_loop3A_242, %parallel_loop3A_243, %parallel_loop3A_244] {strides = array<i32>} : memref<2x96x128xf32, #tpu.memory_space<vmem>>, vector<1x1x16xf32>,
      %parallel_loop3A_246 = vector.shape_cast %parallel_loop3A_245 : vector<1x1x16xf32> to vector<16xf32>
      %parallel_loop3A_247 = vector.shape_cast %parallel_loop3A_240 : vector<16xf32> to vector<1x1x16xf32>
      tpu.vector_store %arg6[%parallel_loop3A_242, %parallel_loop3A_243, %parallel_loop3A_244], %parallel_loop3A_247 {strides = array<i32>} : memref<2x96x128xf32, #tpu.memory_space<vmem>>, vector<1x1x16xf32>,
      %parallel_loop3A_248 = arith.index_cast %parallel_loop3A_181 : i32 to index
      %parallel_loop3A_249 = arith.constant 96 : index
      %parallel_loop3A_250 = tpu.vector_load %arg5[%parallel_loop3A_248, %parallel_loop3A_249] {strides = array<i32>} : memref<512x128xf32, #tpu.memory_space<vmem>>, vector<1x16xf32>,
      %parallel_loop3A_251 = vector.shape_cast %parallel_loop3A_250 : vector<1x16xf32> to vector<16xf32>
      %parallel_loop3A_252 = arith.constant 0 : i32
      %parallel_loop3A_253 = arith.index_cast %parallel_loop3A_252 : i32 to index
      %parallel_loop3A_254 = arith.index_cast %parallel_loop3A_179 : i32 to index
      %parallel_loop3A_255 = arith.constant 96 : index
      %parallel_loop3A_256 = tpu.vector_load %arg6[%parallel_loop3A_253, %parallel_loop3A_254, %parallel_loop3A_255] {strides = array<i32>} : memref<2x96x128xf32, #tpu.memory_space<vmem>>, vector<1x1x16xf32>,
      %parallel_loop3A_257 = vector.shape_cast %parallel_loop3A_256 : vector<1x1x16xf32> to vector<16xf32>
      %parallel_loop3A_258 = vector.shape_cast %parallel_loop3A_251 : vector<16xf32> to vector<1x1x16xf32>
      tpu.vector_store %arg6[%parallel_loop3A_253, %parallel_loop3A_254, %parallel_loop3A_255], %parallel_loop3A_258 {strides = array<i32>} : memref<2x96x128xf32, #tpu.memory_space<vmem>>, vector<1x1x16xf32>,
      %parallel_loop3A_259 = arith.index_cast %parallel_loop3A_181 : i32 to index
      %parallel_loop3A_260 = arith.constant 112 : index
      %parallel_loop3A_261 = tpu.vector_load %arg5[%parallel_loop3A_259, %parallel_loop3A_260] {strides = array<i32>} : memref<512x128xf32, #tpu.memory_space<vmem>>, vector<1x16xf32>,
      %parallel_loop3A_262 = vector.shape_cast %parallel_loop3A_261 : vector<1x16xf32> to vector<16xf32>
      %parallel_loop3A_263 = arith.constant 0 : i32
      %parallel_loop3A_264 = arith.index_cast %parallel_loop3A_263 : i32 to index
      %parallel_loop3A_265 = arith.index_cast %parallel_loop3A_179 : i32 to index
      %parallel_loop3A_266 = arith.constant 112 : index
      %parallel_loop3A_267 = tpu.vector_load %arg6[%parallel_loop3A_264, %parallel_loop3A_265, %parallel_loop3A_266] {strides = array<i32>} : memref<2x96x128xf32, #tpu.memory_space<vmem>>, vector<1x1x16xf32>,
      %parallel_loop3A_268 = vector.shape_cast %parallel_loop3A_267 : vector<1x1x16xf32> to vector<16xf32>
      %parallel_loop3A_269 = vector.shape_cast %parallel_loop3A_262 : vector<16xf32> to vector<1x1x16xf32>
      tpu.vector_store %arg6[%parallel_loop3A_264, %parallel_loop3A_265, %parallel_loop3A_266], %parallel_loop3A_269 {strides = array<i32>} : memref<2x96x128xf32, #tpu.memory_space<vmem>>, vector<1x1x16xf32>,
    } {sc.loop_unroll_factor = 2 : i64, sc.parallel_access}
    %add3A_177 = arith.constant 9984 : i32
    %add3A_178 = arith.addi %add3A_34, %add3A_177 : i32
    %run_scoped3A = arith.constant 0 : i32
    "tpu.region"() ({
      %run_scoped3A_179 = tpu.sem_alloc : memref<!tpu.dma_semaphore, #tpu.memory_space<semaphore_mem>>
      %dma_start3A_180 = arith.constant 0 : i32
      %dma_start3A_181 = arith.constant 0 : i32
      %dma_start3A_182 = tpu.memref_slice %arg6[%run_scoped3A, %dma_start3A_180, %dma_start3A_181] : memref<2x96x128xf32, #tpu.memory_space<vmem>> -> memref<1x16x128xf32, #tpu.memory_space<vmem>>
      %dma_start3A_183 = tpu.memref_squeeze %dma_start3A_182 : memref<1x16x128xf32, #tpu.memory_space<vmem>> -> memref<16x128xf32, #tpu.memory_space<vmem>>
      %dma_start3A_184 = tpu.memref_slice %arg4[%add3A_178, %multiple_of3A] : memref<160000x256xf32, #tpu.memory_space<hbm>> -> memref<16x128xf32, #tpu.memory_space<hbm>>
      %dma_start3A_185 = tpu.memref_slice %arg4[%add3A_178, %multiple_of3A] : memref<160000x256xf32, #tpu.memory_space<hbm>> -> memref<16x128xf32, #tpu.memory_space<hbm>>
      %dma_start3A_186 = arith.constant 0 : i32
      %dma_start3A_187 = arith.constant 0 : i32
      %dma_start3A_188 = tpu.memref_slice %arg6[%run_scoped3A, %dma_start3A_186, %dma_start3A_187] : memref<2x96x128xf32, #tpu.memory_space<vmem>> -> memref<1x16x128xf32, #tpu.memory_space<vmem>>
      %dma_start3A_189 = tpu.memref_squeeze %dma_start3A_188 : memref<1x16x128xf32, #tpu.memory_space<vmem>> -> memref<16x128xf32, #tpu.memory_space<vmem>>
      tpu.enqueue_dma source(%dma_start3A_189 : memref<16x128xf32, #tpu.memory_space<vmem>>) target(%dma_start3A_185 : memref<16x128xf32, #tpu.memory_space<hbm>>) target_semaphore(%run_scoped3A_179 : memref<!tpu.dma_semaphore, #tpu.memory_space<semaphore_mem>>)
      %dma_wait3A_190 = arith.constant 0 : i32
      %dma_wait3A_191 = arith.constant 0 : i32
      %dma_wait3A_192 = tpu.memref_slice %arg6[%run_scoped3A, %dma_wait3A_190, %dma_wait3A_191] : memref<2x96x128xf32, #tpu.memory_space<vmem>> -> memref<1x16x128xf32, #tpu.memory_space<vmem>>
      %dma_wait3A_193 = tpu.memref_squeeze %dma_wait3A_192 : memref<1x16x128xf32, #tpu.memory_space<vmem>> -> memref<16x128xf32, #tpu.memory_space<vmem>>
      %dma_wait3A_194 = tpu.memref_slice %arg4[%add3A_178, %multiple_of3A] : memref<160000x256xf32, #tpu.memory_space<hbm>> -> memref<16x128xf32, #tpu.memory_space<hbm>>
      %dma_wait3A_195 = tpu.memref_slice %arg4[%add3A_178, %multiple_of3A] : memref<160000x256xf32, #tpu.memory_space<hbm>> -> memref<16x128xf32, #tpu.memory_space<hbm>>
      %dma_wait3A_196 = arith.constant 0 : i32
      %dma_wait3A_197 = arith.constant 0 : i32
      %dma_wait3A_198 = tpu.memref_slice %arg6[%run_scoped3A, %dma_wait3A_196, %dma_wait3A_197] : memref<2x96x128xf32, #tpu.memory_space<vmem>> -> memref<1x16x128xf32, #tpu.memory_space<vmem>>
      %dma_wait3A_199 = tpu.memref_squeeze %dma_wait3A_198 : memref<1x16x128xf32, #tpu.memory_space<vmem>> -> memref<16x128xf32, #tpu.memory_space<vmem>>
      tpu.wait_dma2 semaphore(%run_scoped3A_179 : memref<!tpu.dma_semaphore, #tpu.memory_space<semaphore_mem>>) src(%dma_wait3A_199 : memref<16x128xf32, #tpu.memory_space<vmem>>) dst(%dma_wait3A_195 : memref<16x128xf32, #tpu.memory_space<hbm>>)
      tpu.yield
    }) : () -> ()
    return
  }
}

</mosaic_0001>

<sc_bundles>
// kernel: kernel.3.cloned.1.call-start
scs
__scs_entry_jumppad:
0x0: {  	(pc) =	sbr.rel $0x88, $3  }
0x1: {  	(tag) =	ssettag $0x0;
	lr =	simm.s32 $0x1  }
0x2: {  	[smem:$0x3F9F] =	sst lr;
	_ =	strace $0xD0000000  }
0x3: {  	_ = 	snop  }
0x4: {  	_ = 	snop  }
0x5: {  	_ = 	snop  }
0x6: {  	_ = 	snop  }
0x7: {  	_ = 	snop  }
__scs_overlays_trampoline_lowered:
0x8: {  	[smem:$0x3FAE] =	sst s0  }
0x9: {  	[smem:$0x3FAF] =	sst s1  }
0xa: {  	[smem:$0x3FB0] =	sst s2  }
0xb: {  	[smem:$0x3FB1] =	sst s3  }
0xc: {  	[smem:$0x3FB2] =	sst s4  }
0xd: {  	[smem:$0x3FB3] =	sst s5  }
0xe: {  	[smem:$0x3FB4] =	sst s6  }
0xf: {  	[smem:$0x3FB5] =	sst s7  }
0x10: {  	[smem:$0x3FB6] =	sst s8  }
0x11: {  	[smem:$0x3FB7] =	sst s9;
	s0 =	simm.s32 @!p0 $0x0  }
0x12: {  	s1 =	sld [smem:$0x3F9D];
	s0 =	simm.s32 @p0 $0x1  }
0x13: {  	[smem:$0x3FB8] =	sst s0;
	s0 =	simm.s32 @!p1 $0x0  }
0x14: {  	s2 =	sld [smem:$0x3F9C];
	s0 =	simm.s32 @p1 $0x1  }
0x15: {  	[smem:$0x3FB9] =	sst s0;
	s0 =	simm.s32 @!p2 $0x0  }
0x16: {  	s3 =	sld [smem:$0x3FDB];
	s0 =	simm.s32 @p2 $0x1  }
0x17: {  	s4 =	simm.s32 $0x1BF5;
	[smem:$0x3FBB] =	sst s0  }
0x18: {  	s0 =	sld [smem:$0x3F9E];
	_ =	swait.ge [sflag:s4], $0x0  }
0x19: {  	s7 =	sld [smem:$0x3F9F]  }
0x1a: {  	s8 =	sadd.s32 $0xFFFFE003, lr  }
0x1b: {  	s9 =	sadd.s32 $0xFFFFFEF7, lr;
	s5 =	simm.s32 $0xFFFFFFFF;
	p2 =	slt.u32 s8, $0xFFFFF086  }
0x1c: {  	p1 =	slt.u32 s9, $0xF7A;
	s5 =	simm.s32 @!p2 $0x0  }
0x1d: {  	s5 =	simm.s32 @p1 $0x1;
	p0 =	seq.s32 s7, s2  }
0x1e: {  	s7 =	smul.u32 @!p0 $0xF7A, s2;
	p2 =	seq.s32 @!p0 s5, $0x0  }
0x1f: {  	s9 =	smul.u32 $0xF7A, s1;
	s8 =	simm.s32 @!p0 $0x1BF5;
	p2 =	por !p2, p0  }
0x20: {  	[sflag:s8] =	ssyncset.s32 @!p0 $0xFFFFF086;
	s6 =	sadd.s32 @!p0 s3, s7;
	s7 =	simm.s32 @!p0 $0x108  }
0x21: {  	s3 =	sadd.s32 s3, s9;
	s6 =	sadd.s32 @!p0 $0x88, s6;
	s7 =	simm.s32 @p2 $0x1082  }
0x22: {  	[simem:s7], [sflag:s8] =	dma.local @!p0 [hbm:s6], $0xF7A  }
0x23: {  	s9 =	sor.u32 $0xD0000000, s2;
	s6 =	simm.s32 $0x108;
	_ =	swait.ge @!p0 [sflag:s8], $0x0  }
0x24: {  	s3 =	sadd.s32 $0x88, s3;
	s6 =	simm.s32 @!p1 $0x1082;
	[sflag:s4] =	ssyncset.s32 $0xFFFFF086  }
0x25: {  	[simem:s6], [sflag:s4] =	dma.local [hbm:s3], $0xF7A  }
0x26: {  	[smem:$0x3F9F] =	sst s1;
	(tag) =	ssettag s2;
	_ =	strace s9  }
0x27: {  	s1 =	sld [smem:$0x3FAF]  }
0x28: {  	s2 =	sld [smem:$0x3FB0]  }
0x29: {  	s4 =	sld [smem:$0x3FB2]  }
0x2a: {  	p0 =	seq.s32 s5, $0x0;
	s5 =	sld [smem:$0x3FB3]  }
0x2b: {  	s6 =	sld [smem:$0x3FB4]  }
0x2c: {  	s7 =	sld [smem:$0x3FB5]  }
0x2d: {  	s3 =	simm.s32 $0x108;
	s8 =	sld [smem:$0x3FB6]  }
0x2e: {  	s3 =	simm.s32 @!p0 $0x1082;
	s9 =	sld [smem:$0x3FB7]  }
0x2f: {  	lr =	sadd.s32 s0, s3;
	s0 =	sld [smem:$0x3FAE]  }
0x30: {  	s3 =	sld [smem:$0x3FB1]  }
0x31: {  	[smem:$0x3FBA] =	sst s10  }
0x32: {  	s10 =	sld [smem:$0x3FB8];
	_ =	sdelay $0x3  }
0x33: {  	p0 =	seq.s32 s10, $0x1;
	s10 =	sld [smem:$0x3FBA];
	_ =	sdelay $0x3  }
0x34: {  	[smem:$0x3FBA] =	sst s10  }
0x35: {  	s10 =	sld [smem:$0x3FB9];
	_ =	sdelay $0x3  }
0x36: {  	p1 =	seq.s32 s10, $0x1;
	s10 =	sld [smem:$0x3FBA];
	_ =	sdelay $0x3  }
0x37: {  	[smem:$0x3FBA] =	sst s10  }
0x38: {  	s10 =	sld [smem:$0x3FBB]  }
0x39: {  	_ = 	snop;
	(pc) =	sbr.ind lr, $3  }
0x3a: {  	_ = 	snop  }
0x3b: {  	_ = 	snop  }
0x3c: {  	p2 =	seq.s32 s10, $0x1;
	s10 =	sld [smem:$0x3FBA]  }
0x3d: {  	_ =	shalt  }
0x3e: {  	_ =	shalt  }
0x3f: {  	_ =	shalt  }
0x40: {  	_ =	shalt  }
0x41: {  	_ =	shalt  }
0x42: {  	_ =	shalt  }
0x43: {  	_ =	shalt  }
0x44: {  	_ =	shalt  }
0x45: {  	_ =	shalt  }
0x46: {  	_ =	shalt  }
0x47: {  	_ =	shalt  }
0x48: {  	_ =	shalt  }
0x49: {  	_ =	shalt  }
0x4a: {  	_ =	shalt  }
0x4b: {  	_ =	shalt  }
0x4c: {  	_ =	shalt  }
0x4d: {  	_ =	shalt  }
0x4e: {  	_ =	shalt  }
0x4f: {  	_ =	shalt  }
0x50: {  	_ =	shalt  }
0x51: {  	_ =	shalt  }
0x52: {  	_ =	shalt  }
0x53: {  	_ =	shalt  }
0x54: {  	_ =	shalt  }
0x55: {  	_ =	shalt  }
0x56: {  	_ =	shalt  }
0x57: {  	_ =	shalt  }
0x58: {  	_ =	shalt  }
0x59: {  	_ =	shalt  }
0x5a: {  	_ =	shalt  }
0x5b: {  	_ =	shalt  }
0x5c: {  	_ =	shalt  }
0x5d: {  	_ =	shalt  }
0x5e: {  	_ =	shalt  }
0x5f: {  	_ =	shalt  }
0x60: {  	_ =	shalt  }
0x61: {  	_ =	shalt  }
0x62: {  	_ =	shalt  }
0x63: {  	_ =	shalt  }
0x64: {  	_ =	shalt  }
0x65: {  	_ =	shalt  }
0x66: {  	_ =	shalt  }
0x67: {  	_ =	shalt  }
0x68: {  	_ =	shalt  }
0x69: {  	_ =	shalt  }
0x6a: {  	_ =	shalt  }
0x6b: {  	_ =	shalt  }
0x6c: {  	_ =	shalt  }
0x6d: {  	_ =	shalt  }
0x6e: {  	_ =	shalt  }
0x6f: {  	_ =	shalt  }
0x70: {  	_ =	shalt  }
0x71: {  	_ =	shalt  }
0x72: {  	_ =	shalt  }
0x73: {  	_ =	shalt  }
0x74: {  	_ =	shalt  }
0x75: {  	_ =	shalt  }
0x76: {  	_ =	shalt  }
0x77: {  	_ =	shalt  }
0x78: {  	_ =	shalt  }
0x79: {  	_ =	shalt  }
0x7a: {  	_ =	shalt  }
0x7b: {  	_ =	shalt  }
0x7c: {  	_ =	shalt  }
0x7d: {  	_ =	shalt  }
0x7e: {  	_ =	shalt  }
0x7f: {  	_ =	shalt  }
0x80: {  	_ =	shalt  }
0x81: {  	_ =	shalt  }
0x82: {  	_ =	shalt  }
0x83: {  	_ =	shalt  }
0x84: {  	_ =	shalt  }
0x85: {  	_ =	shalt  }
0x86: {  	_ =	shalt  }
0x87: {  	_ =	shalt  }
.Lfunc_end0:
.L_simem_size_0:
called_computation_lowered:
.L_overlay_start_0:
0x88: {  	s2 =	sld [smem:$0x3FD9]  }
0x89: {  	s3 =	sld [smem:$0x3FFE];
	_ =	sdelay $0x1  }
0x8a: {  	s1 =	srdreg.scid  }
0x8b: {  	s0 =	sand.u32 $0x1, s1  }
0x8c: {  	s18 =	sshll.u32 s0, $0xA;
	s2 =	sadd.s32 s3, s2  }
0x8d: {  	s2 =	sadd.s32 s2, s18  }
0x8e: {  	[smem:$0x3FC6] =	sst s2  }
0x8f: {  	_ = 	snop  }
0x90: {  	s2 =	sld [smem:$0x3FC9]  }
0x91: {  	s19 =	sld [smem:$0x3FC8]  }
0x92: {  	s4 =	sld [smem:$0x3FD0];
	(tm) =	ssettm $0x1  }
0x93: {  	s5 =	sld [smem:$0x3FFB];
	_ =	sdelay $0x3  }
0x94: {  	_ =	strace s5  }
0x95: {  	s5 =	sld [smem:$0x3FFC];
	_ =	sdelay $0x3  }
0x96: {  	_ =	strace s5  }
0x97: {  	s5 =	sld [smem:$0x3FFD];
	_ =	sdelay $0x3  }
0x98: {  	_ =	strace s5  }
0x99: {  	_ =	strace $0x8FFFFFFF  }
0x9a: {  	s20 =	sld [smem:$0x3FDB];
	_ =	sdelay $0x1  }
0x9b: {  	s6 =	simm.s32 $_scs_section_size  }
0x9c: {  	s7 =	simm.s32 $_size__tile_overlayer_lowered;
	s8 =	simm.s32 $_tile_overlayer_lowered  }
0x9d: {  	s23 =	simm.s32 $0x1BFF;
	s22 =	sshll.u32 s8, $0x1;
	s5 =	sadd.s32 s6, s20  }
0x9e: {  	s9 =	simm.s32 $0x0;
	s21 =	sshll.u32 s7, $0x1;
	s7 =	sadd.s32 s22, s5  }
0x9f: {  	[timem:s9], [sflag:s23] =	dma.local [hbm:s7], s21  }
0xa0: {  	_ =	swait.ge [sflag:s23], s21  }
0xa1: {  	s6 =	ssub.s32 $0x0, s21;
	[sflag:s23] =	ssyncset.done $0x0  }
0xa2: {  	[sflag:s23] =	ssyncadd.s32 s6;
	_ =	sdelay $0x1  }
0xa3: {  	s24 =	simm.s32 $0x1B8B  }
0xa4: {  	_ =	swait.ge [sflag:s24], $0x1  }
0xa5: {  	[sflag:s24] =	ssyncset.done $0x0  }
0xa6: {  	s25 =	simm.s32 $0x1B8E;
	[sflag:s24] =	ssyncadd.s32 $0xFFFFFFFF  }
0xa7: {  	s26 =	simm.s32 $execute0_lowered;
	[smem:$0x3FD2] =	sst s25  }
0xa8: {  	s6 =	sshll.u32 s26, $0x1;
	_ =	strace $0x80000046;
	[dreg:$0x1] =	wrdreg $0xFFFFFFFF  }
0xa9: {  	s28 =	simm.s32 $_size_execute0_lowered;
	s5 =	sadd.s32 s5, s6;
	[dreg:$0x0] =	wrdreg $0x0  }
0xaa: {  	s6 =	sshll.u32 s28, $0x1;
	[dreg:$0x2] =	wrdreg s5  }
0xab: {  	[dreg:$0x3] =	wrdreg s6  }
0xac: {  	[dreg:$0x4] =	wrdreg $0xC0  }
0xad: {  	_ =	task [dreg:s9], $0x5FFFF  }
0xae: {  	[dreg:$0x1] =	wrdreg $0xFFFFFFFF  }
0xaf: {  	[dreg:$0x0] =	wrdreg $0x60  }
0xb0: {  	[dreg:$0x2] =	wrdreg s19  }
0xb1: {  	[dreg:$0x3] =	wrdreg s2  }
0xb2: {  	[dreg:$0x4] =	wrdreg s4  }
0xb3: {  	[dreg:$0x5] =	wrdreg $0x187800  }
0xb4: {  	[dreg:$0x6] =	wrdreg $0x9  }
0xb5: {  	_ =	task.clear_ibuf [dreg:s9], $0x7FFFF;
	_ =	strace $0x90000046  }
0xb6: {  	s29 =	simm.s32 $0x9;
	_ =	strace $0x80000048  }
0xb7: {  	_ =	swait.ge [sflag:s29], $0x1  }
0xb8: {  	[sflag:s29] =	ssyncadd.s32 $0xFFFFFFFF  }
0xb9: {  	_ =	strace $0x90000048  }
0xba: {  	_ =	sfence  }
0xbb: {  	s30 =	sld [smem:$0x0];
	_ =	sdelay $0x2  }
0xbc: {  	s31 =	sshll.u32 s1, $0xD;
	s1 =	sshrl.u32 s1, $0x2  }
0xbd: {  	s3 =	sand.u32 $0x4000, s31;
	s1 =	sadd.s32 s1, s30  }
0xbe: {  	s0 =	sor.u32 s3, s0;
	s1 =	sshll.u32 s1, $0x11  }
0xbf: {  	s0 =	sor.u32 s1, s0  }
0xc0: {  	s0 =	sadd.s32 $0x8F2B, s0  }
0xc1: {  	[sflag:s0] =	ssyncadd.remote.s32 $0x1  }
0xc2: {  	_ =	sfence.sel $0xFFFF  }
0xc3: {  	[dreg:$0x0] =	wrdreg $0xFFFFFFFF;
	(pc) =	sbr.abs _section_cstart, $3  }
0xc4: {  	[dreg:$0x1] =	wrdreg $0xFFFFFFFF  }
0xc5: {  	_ =	task.clear_ibuf [dreg:s9], $0x2FFFF;
	_ =	strace $0x9FFFFFFF  }
0xc6: {  	(tm) =	ssettm $0x7FFFFFFF  }
0xc7: {  	_ =	shalt  }
tec
execute0_lowered:
.L_overlay_start_1:
0x0: {  	(tag) =	ssettag $0x1  }
0x1: {  	s0 =	rddreg [dreg:$0x0]  }
0x2: {  	s2 =	rddreg [dreg:$0x1]  }
0x3: {  	s1 =	rddreg [dreg:$0x2]  }
0x4: {  	s6 =	rddreg [dreg:$0x3];
	s4 =	srdreg.scid  }
0x5: {  	s3 =	simm.s32 $0x0;
	s10 =	stileid.u32;
	s16 =	simm.s32 $0x400  }
0x6: {  	s17 =	simm.s32 $0x800;
	s28 =	simm.s32 $0x5;
	s4 =	sand.u32 $0x1, s4  }
0x7: {  	s5 =	sshrl.u32 s10, $0x1;
	s19 =	sshll.u32 s10, $0xA;
	s10 =	smul.u32 $0x9C40, s10  }
0x8: {  	s29 =	simm.s32 $0x0;
	[smem:$0x7FF] =	sst s3;
	s7 =	smul.u32 $0x13880, s4  }
0x9: {  	s8 =	ssub.s32 $0x2, s4;
	s5 =	smul.u32 $0x2710, s5;
	_ =	strace $0x80000047  }
0xa: {  	s4 =	sand.u32 $0x400, s19;
	s19 =	simm.s32 $0x4;
	s9 =	sshrl.u32 s8, $0x1  }
0xb: {  	s20 =	sshrl.u32 s4, $0x3;
	s23 =	sshrl.u32 s10, $0x2;
	s5 =	sadd.s32 s7, s5  }
0xc: {  	s9 =	ssub.s32 s8, s9;
	s0 =	sadd.s32 s0, s20;
	s8 =	sadd.s32 s23, s6  }
0xd: {  	s23 =	simm.s32 $0x13000;
	[dreg:$0x5] =	wrdreg s0;
	s6 =	sadd.s32 $0x60, s8  }
0xe: {  	s21 =	sshll.u32 s5, $0x8;
	s26 =	sadd.s32 $0xC0, s8;
	[dreg:$0x7] =	wrdreg s6  }
0xf: {  	s22 =	sshrl.u32 s5, $0x3;
	s30 =	sadd.s32 $0x2700, s8;
	[dreg:$0x9] =	wrdreg s26  }
0x10: {  	s31 =	smax.u32 s9, $0x1;
	s0 =	sor.u32 s4, s21;
	[dreg:$0xb] =	wrdreg s30  }
0x11: {  	s2 =	sadd.s32 s2, s22;
	[dreg:$0xd] =	wrdreg s31;
	s21 =	simm.s32 $0x80  }
0x12: {  	s24 =	sshrl.u32 s0, $0x3;
	s25 =	sadd.s32 $0x6000, s0;
	s0 =	sadd.s32 $0x270000, s0  }
0x13: {  	[dreg:$0x6] =	wrdreg s2;
	s2 =	sadd.s32 s1, s24;
	s0 =	sshrl.u32 s0, $0x3  }
0x14: {  	[dreg:$0x8] =	wrdreg s2;
	s2 =	sshrl.u32 s25, $0x3;
	s0 =	sadd.s32 s1, s0  }
0x15: {  	s22 =	simm.s32 $0x10000;
	s2 =	sadd.s32 s1, s2;
	[dreg:$0xc] =	wrdreg s0  }
0x16: {  	s24 =	simm.s32 $0x1;
	s25 =	simm.s32 $0x2;
	[dreg:$0xa] =	wrdreg s2  }
.LBB2_1:
0x17: {  	s0 =	rddreg [dreg:$0x5]  }
0x18: {  	[tilespmem:s3], [sflag:$0x3] =	stream.strided.gather [hbm4b:s0+s16], $0x10000, s17, s16, $0x38;
	[tilespmem:$0x1AE90] =	vst v63  }
0x19: {  	s11 =	rddreg [dreg:$0x6];
	s2 =	simm.s32 $0x16000  }
0x1a: {  	[tilespmem:s2], [sflag:$0x4] =	stream.linear.gather [hbm4b:s11+s3], $0x2710, $0x38;
	[tilespmem:$0x1AE90] =	vst v63  }
0x1b: {  	_ =	swait.ge [sflag:s19], $0x2710  }
0x1c: {  	[sflag:s19] =	ssyncset.done $0x0  }
0x1d: {  	[sflag:s19] =	ssyncadd.s32 $0xFFFFD8F0  }
0x1e: {  	[spmem:s8] =	stream.linear.scatter [tilespmem:s2], [sflag:$0x4], $0x2710, $0x38;
	[tilespmem:$0x1AE90] =	vst v63  }
0x1f: {  	_ =	swait.ge [sflag:s19], $0x2710  }
0x20: {  	[sflag:s19] =	ssyncset.done $0x0  }
0x21: {  	s12 =	simm.s32 $0x3;
	[sflag:s19] =	ssyncadd.s32 $0xFFFFD8F0  }
0x22: {  	[smem:s3], [sflag:$0x4] =	stream.linear.gather [spmem:s8], $0x60, $0x38;
	[tilespmem:$0x1AE90] =	vst v63  }
0x23: {  	_ =	swait.ge [sflag:s12], $0x10000  }
0x24: {  	[sflag:s12] =	ssyncset.done $0x0  }
0x25: {  	[sflag:s12] =	ssyncadd.s32 $0xFFFF0000  }
0x26: {  	_ =	swait.ge [sflag:s19], $0x60  }
0x27: {  	[sflag:s19] =	ssyncset.done $0x0  }
0x28: {  	s13 =	rddreg [dreg:$0x7];
	[sflag:s19] =	ssyncadd.s32 $0xFFFFFFA0  }
0x29: {  	[smem:s21], [sflag:$0x4] =	stream.linear.gather [spmem:s13], $0x60, $0x38;
	[tilespmem:$0x1AE90] =	vst v63  }
0x2a: {  	s0 =	sld [smem:$0x3]  }
0x2b: {  	s14 =	sld [smem:$0x1]  }
0x2c: {  	s6 =	sld [smem:$0x2]  }
0x2d: {  	s7 =	sld [smem:$0x0];
	s0 =	sshll.u32 s0, $0x9  }
0x2e: {  	s2 =	sshll.u32 s14, $0x9;
	s12 =	sshra.s32 s0, $0x2  }
0x2f: {  	s2 =	sshra.s32 s2, $0x2;
	s15 =	sshll.u32 s6, $0x9;
	v0 =	vld [tilespmem:s12+$0x0]  }
0x30: {  	s18 =	sshll.u32 s7, $0x9;
	v1 =	vld [tilespmem:s2+$0x0];
	s26 =	sshra.s32 s15, $0x2  }
0x31: {  	s11 =	sshra.s32 s18, $0x2;
	v2 =	vld [tilespmem:s26+$0x0]  }
0x32: {  	v3 =	vld [tilespmem:s11+$0x0]  }
0x33: {  	s0 =	simm.s32 $0x10100  }
0x34: {  	[tilespmem:s0+$0x80] =	vst v0  }
0x35: {  	[tilespmem:s0+$0xFFFFFF80] =	vst v1;
	v0 =	vld [tilespmem:s12+$0x10]  }
0x36: {  	v1 =	vld [tilespmem:s2+$0x10];
	[tilespmem:s0+$0x0] =	vst v2  }
0x37: {  	[tilespmem:s0+$0xFFFFFF00] =	vst v3;
	v2 =	vld [tilespmem:s26+$0x10]  }
0x38: {  	v3 =	vld [tilespmem:s11+$0x10];
	_ =	sdelay $0x1  }
0x39: {  	[tilespmem:s0+$0x90] =	vst v0  }
0x3a: {  	[tilespmem:s0+$0xFFFFFF90] =	vst v1;
	v0 =	vld [tilespmem:s12+$0x20]  }
0x3b: {  	v1 =	vld [tilespmem:s2+$0x20];
	[tilespmem:s0+$0x10] =	vst v2  }
0x3c: {  	[tilespmem:s0+$0xFFFFFF10] =	vst v3;
	v2 =	vld [tilespmem:s26+$0x20]  }
0x3d: {  	v3 =	vld [tilespmem:s11+$0x20];
	_ =	sdelay $0x1  }
0x3e: {  	[tilespmem:s0+$0xA0] =	vst v0  }
0x3f: {  	[tilespmem:s0+$0xFFFFFFA0] =	vst v1;
	v0 =	vld [tilespmem:s12+$0x30]  }
0x40: {  	v1 =	vld [tilespmem:s2+$0x30];
	[tilespmem:s0+$0x20] =	vst v2  }
0x41: {  	[tilespmem:s0+$0xFFFFFF20] =	vst v3;
	v2 =	vld [tilespmem:s26+$0x30]  }
0x42: {  	v3 =	vld [tilespmem:s11+$0x30];
	_ =	sdelay $0x1  }
0x43: {  	[tilespmem:s0+$0xB0] =	vst v0  }
0x44: {  	[tilespmem:s0+$0xFFFFFFB0] =	vst v1;
	v0 =	vld [tilespmem:s12+$0x40]  }
0x45: {  	v1 =	vld [tilespmem:s2+$0x40];
	[tilespmem:s0+$0x30] =	vst v2  }
0x46: {  	[tilespmem:s0+$0xFFFFFF30] =	vst v3  }
0x47: {  	v2 =	vld [tilespmem:s26+$0x40];
	s20 =	sld [smem:$0x7]  }
0x48: {  	v3 =	vld [tilespmem:s11+$0x40];
	s30 =	sld [smem:$0x5]  }
0x49: {  	s10 =	sld [smem:$0x6];
	[tilespmem:s0+$0xC0] =	vst v0  }
0x4a: {  	s13 =	sld [smem:$0x4];
	s6 =	sshll.u32 s20, $0x9;
	[tilespmem:s0+$0xFFFFFFC0] =	vst v1;
	v0 =	vld [tilespmem:s12+$0x50]  }
0x4b: {  	s7 =	sshll.u32 s30, $0x9;
	s6 =	sshra.s32 s6, $0x2;
	v1 =	vld [tilespmem:s2+$0x50]  }
0x4c: {  	s9 =	sshra.s32 s7, $0x2;
	s31 =	sshll.u32 s10, $0x9;
	v4 =	vld [tilespmem:s6+$0x0]  }
0x4d: {  	[tilespmem:s0+$0x40] =	vst v2;
	s13 =	sshll.u32 s13, $0x9;
	v2 =	vld [tilespmem:s9+$0x0];
	s10 =	sshra.s32 s31, $0x2  }
0x4e: {  	[tilespmem:s0+$0xFFFFFF40] =	vst v3;
	s7 =	sshra.s32 s13, $0x2;
	v3 =	vld [tilespmem:s10+$0x0]  }
0x4f: {  	v5 =	vld [tilespmem:s7+$0x0];
	[tilespmem:s0+$0xD0] =	vst v0  }
0x50: {  	s18 =	simm.s32 $0x10300;
	[tilespmem:s0+$0xFFFFFFD0] =	vst v1;
	v0 =	vld [tilespmem:s12+$0x60]  }
0x51: {  	v1 =	vld [tilespmem:s11+$0x50];
	[tilespmem:s18+$0x80] =	vst v4  }
0x52: {  	[tilespmem:s18+$0xFFFFFF80] =	vst v2;
	v2 =	vld [tilespmem:s6+$0x10]  }
0x53: {  	v4 =	vld [tilespmem:s9+$0x10];
	[tilespmem:s18+$0x0] =	vst v3  }
0x54: {  	[tilespmem:s18+$0xFFFFFF00] =	vst v5;
	v3 =	vld [tilespmem:s10+$0x10]  }
0x55: {  	v5 =	vld [tilespmem:s7+$0x10];
	[tilespmem:s0+$0xE0] =	vst v0  }
0x56: {  	[tilespmem:s0+$0xFFFFFF50] =	vst v1;
	v1 =	vld [tilespmem:s26+$0x50]  }
0x57: {  	v0 =	vld [tilespmem:s12+$0x70];
	[tilespmem:s18+$0x90] =	vst v2  }
0x58: {  	[tilespmem:s18+$0xFFFFFF90] =	vst v4;
	v2 =	vld [tilespmem:s6+$0x20]  }
0x59: {  	v4 =	vld [tilespmem:s9+$0x20];
	[tilespmem:s18+$0x10] =	vst v3  }
0x5a: {  	[tilespmem:s18+$0xFFFFFF10] =	vst v5;
	v3 =	vld [tilespmem:s10+$0x20]  }
0x5b: {  	[tilespmem:s0+$0x50] =	vst v1;
	v5 =	vld [tilespmem:s7+$0x20]  }
0x5c: {  	v1 =	vld [tilespmem:s2+$0x60];
	[tilespmem:s0+$0xF0] =	vst v0  }
0x5d: {  	v0 =	vld [tilespmem:s11+$0x60];
	[tilespmem:s18+$0xA0] =	vst v2  }
0x5e: {  	[tilespmem:s18+$0xFFFFFFA0] =	vst v4;
	v2 =	vld [tilespmem:s6+$0x30]  }
0x5f: {  	v4 =	vld [tilespmem:s9+$0x30];
	[tilespmem:s18+$0x20] =	vst v3  }
0x60: {  	[tilespmem:s18+$0xFFFFFF20] =	vst v5;
	v5 =	vld [tilespmem:s10+$0x30]  }
0x61: {  	[tilespmem:s0+$0xFFFFFFE0] =	vst v1;
	v6 =	vld [tilespmem:s7+$0x30]  }
0x62: {  	v1 =	vld [tilespmem:s26+$0x60];
	[tilespmem:s0+$0xFFFFFF60] =	vst v0  }
0x63: {  	v0 =	vld [tilespmem:s11+$0x70];
	[tilespmem:s18+$0xB0] =	vst v2  }
0x64: {  	[tilespmem:s18+$0xFFFFFFB0] =	vst v4;
	v4 =	vld [tilespmem:s6+$0x40]  }
0x65: {  	v3 =	vld [tilespmem:s9+$0x40];
	[tilespmem:s18+$0x30] =	vst v5  }
0x66: {  	s12 =	simm.s32 $0xA;
	s11 =	simm.s32 $0x4;
	[tilespmem:s18+$0xFFFFFF30] =	vst v6;
	v2 =	vld [tilespmem:s10+$0x40]  }
.LBB2_2:
0x67: {  	s13 =	sld [smem:s12+$0x1];
	s11 =	sadd.s32 $0x4, s11;
	v5 =	vld [tilespmem:s7+$0x40];
	[tilespmem:s0+$0x60] =	vst v1  }
0x68: {  	s14 =	sld [smem:s12+$0xFFFFFFFF];
	p0 =	slt.u32 s11, $0x5C;
	[tilespmem:s0+$0xFFFFFF70] =	vst v0;
	v0 =	vld [tilespmem:s2+$0x70];
	s2 =	smov.u32 s9  }
0x69: {  	s30 =	sld [smem:s12+$0x0];
	[tilespmem:s18+$0xC0] =	vst v4;
	v1 =	vld [tilespmem:s26+$0x70];
	s26 =	smov.u32 s10  }
0x6a: {  	s10 =	sld [smem:s12+$0xFFFFFFFE];
	s9 =	sshll.u32 s13, $0x9;
	[tilespmem:s18+$0xFFFFFFC0] =	vst v3;
	v3 =	vld [tilespmem:s6+$0x50]  }
0x6b: {  	s13 =	sshll.u32 s14, $0x9;
	s14 =	sshra.s32 s9, $0x2;
	v4 =	vld [tilespmem:s2+$0x50];
	[tilespmem:s18+$0x40] =	vst v2  }
0x6c: {  	s9 =	sshra.s32 s13, $0x2;
	s13 =	sshll.u32 s30, $0x9;
	v2 =	vld [tilespmem:s14+$0x0];
	[tilespmem:s18+$0xFFFFFF40] =	vst v5  }
0x6d: {  	s30 =	sshll.u32 s10, $0x9;
	v5 =	vld [tilespmem:s9+$0x0];
	s10 =	sshra.s32 s13, $0x2;
	[tilespmem:s0+$0xFFFFFFF0] =	vst v0  }
0x6e: {  	s13 =	sshra.s32 s30, $0x2;
	v0 =	vld [tilespmem:s10+$0x0];
	[tilespmem:s0+$0x70] =	vst v1;
	s0 =	smov.u32 s18  }
0x6f: {  	v1 =	vld [tilespmem:s13+$0x0];
	[tilespmem:s18+$0xD0] =	vst v3  }
0x70: {  	s18 =	sadd.s32 $0x200, s18;
	[tilespmem:s0+$0xFFFFFFD0] =	vst v4;
	v3 =	vld [tilespmem:s6+$0x60]  }
0x71: {  	[tilespmem:s18+$0x80] =	vst v2;
	v2 =	vld [tilespmem:s7+$0x50]  }
0x72: {  	[tilespmem:s18+$0xFFFFFF80] =	vst v5;
	v4 =	vld [tilespmem:s14+$0x10]  }
0x73: {  	v5 =	vld [tilespmem:s9+$0x10];
	[tilespmem:s18+$0x0] =	vst v0  }
0x74: {  	[tilespmem:s18+$0xFFFFFF00] =	vst v1;
	v0 =	vld [tilespmem:s10+$0x10]  }
0x75: {  	v1 =	vld [tilespmem:s13+$0x10];
	[tilespmem:s0+$0xE0] =	vst v3  }
0x76: {  	[tilespmem:s0+$0xFFFFFF50] =	vst v2;
	v2 =	vld [tilespmem:s6+$0x70];
	s6 =	smov.u32 s14  }
0x77: {  	[tilespmem:s18+$0x90] =	vst v4;
	v3 =	vld [tilespmem:s26+$0x50]  }
0x78: {  	[tilespmem:s18+$0xFFFFFF90] =	vst v5;
	v4 =	vld [tilespmem:s6+$0x20]  }
0x79: {  	v5 =	vld [tilespmem:s9+$0x20];
	[tilespmem:s18+$0x10] =	vst v0  }
0x7a: {  	[tilespmem:s18+$0xFFFFFF10] =	vst v1;
	v0 =	vld [tilespmem:s10+$0x20]  }
0x7b: {  	v1 =	vld [tilespmem:s13+$0x20];
	[tilespmem:s0+$0xF0] =	vst v2  }
0x7c: {  	v2 =	vld [tilespmem:s7+$0x60];
	[tilespmem:s0+$0x50] =	vst v3  }
0x7d: {  	[tilespmem:s18+$0xA0] =	vst v4;
	v3 =	vld [tilespmem:s2+$0x60]  }
0x7e: {  	[tilespmem:s18+$0xFFFFFFA0] =	vst v5;
	v4 =	vld [tilespmem:s6+$0x30]  }
0x7f: {  	v5 =	vld [tilespmem:s9+$0x30];
	[tilespmem:s18+$0x20] =	vst v0  }
0x80: {  	[tilespmem:s18+$0xFFFFFF20] =	vst v1;
	v6 =	vld [tilespmem:s10+$0x30]  }
0x81: {  	v7 =	vld [tilespmem:s13+$0x30];
	[tilespmem:s0+$0xFFFFFF60] =	vst v2  }
.Ltmp0:
0x82: {  	[tilespmem:s0+$0xFFFFFFE0] =	vst v3;
	v1 =	vld [tilespmem:s26+$0x60];
	(pc) =	sbr.rel @p0 .LBB2_2-.Ltmp0, $4  }
0x83: {  	[tilespmem:s18+$0xB0] =	vst v4;
	v0 =	vld [tilespmem:s7+$0x70];
	s7 =	smov.u32 s13  }
0x84: {  	[tilespmem:s18+$0xFFFFFFB0] =	vst v5;
	v4 =	vld [tilespmem:s6+$0x40]  }
0x85: {  	v3 =	vld [tilespmem:s9+$0x40];
	[tilespmem:s18+$0x30] =	vst v6  }
0x86: {  	s12 =	sadd.s32 $0x4, s12;
	[tilespmem:s18+$0xFFFFFF30] =	vst v7;
	v2 =	vld [tilespmem:s10+$0x40]  }
0x87: {  	v5 =	vld [tilespmem:s7+$0x40];
	_ =	sdelay $0x1  }
0x88: {  	[tilespmem:s18+$0xC0] =	vst v4  }
0x89: {  	[tilespmem:s18+$0xFFFFFFC0] =	vst v3  }
0x8a: {  	v4 =	vld [tilespmem:s6+$0x50];
	[tilespmem:s18+$0x40] =	vst v2  }
0x8b: {  	[tilespmem:s18+$0xFFFFFF40] =	vst v5;
	v5 =	vld [tilespmem:s9+$0x50]  }
0x8c: {  	v2 =	vld [tilespmem:s10+$0x50]  }
0x8d: {  	[tilespmem:s0+$0x60] =	vst v1;
	v3 =	vld [tilespmem:s7+$0x50]  }
0x8e: {  	[tilespmem:s0+$0xFFFFFF70] =	vst v0  }
0x8f: {  	v0 =	vld [tilespmem:s2+$0x70];
	[tilespmem:s18+$0xD0] =	vst v4  }
0x90: {  	v4 =	vld [tilespmem:s6+$0x60];
	[tilespmem:s18+$0xFFFFFFD0] =	vst v5  }
0x91: {  	[tilespmem:s18+$0x50] =	vst v2;
	v2 =	vld [tilespmem:s9+$0x60]  }
0x92: {  	[tilespmem:s18+$0xFFFFFF50] =	vst v3;
	v1 =	vld [tilespmem:s10+$0x60]  }
0x93: {  	v3 =	vld [tilespmem:s7+$0x60]  }
0x94: {  	[tilespmem:s0+$0xFFFFFFF0] =	vst v0  }
0x95: {  	v5 =	vld [tilespmem:s26+$0x70];
	[tilespmem:s18+$0xE0] =	vst v4  }
0x96: {  	v4 =	vld [tilespmem:s6+$0x70];
	[tilespmem:s18+$0xFFFFFFE0] =	vst v2  }
0x97: {  	[tilespmem:s18+$0x60] =	vst v1;
	v1 =	vld [tilespmem:s9+$0x70]  }
0x98: {  	[tilespmem:s18+$0xFFFFFF60] =	vst v3;
	v0 =	vld [tilespmem:s10+$0x70]  }
0x99: {  	v2 =	vld [tilespmem:s7+$0x70]  }
0x9a: {  	[tilespmem:s0+$0x70] =	vst v5  }
0x9b: {  	[tilespmem:s18+$0xF0] =	vst v4  }
0x9c: {  	[tilespmem:s18+$0xFFFFFFF0] =	vst v1  }
0x9d: {  	[tilespmem:s18+$0x70] =	vst v0  }
0x9e: {  	[tilespmem:s18+$0xFFFFFF70] =	vst v2  }
0x9f: {  	s0 =	rddreg [dreg:$0x8]  }
0xa0: {  	[hbm4b:s0+s16] =	stream.strided.scatter [tilespmem:s22], [sflag:$0x1], $0x3000, s17, s16, $0x38;
	[tilespmem:$0x1AE90] =	vst v63  }
0xa1: {  	_ =	swait.ge [sflag:s19], $0x60  }
0xa2: {  	[sflag:s19] =	ssyncset.done $0x0  }
0xa3: {  	s9 =	rddreg [dreg:$0x9];
	[sflag:s19] =	ssyncadd.s32 $0xFFFFFFA0  }
0xa4: {  	[smem:s3], [sflag:$0x4] =	stream.linear.gather [spmem:s9], $0x60, $0x38;
	[tilespmem:$0x1AE90] =	vst v63  }
0xa5: {  	s0 =	sld [smem:$0x83]  }
0xa6: {  	s10 =	sld [smem:$0x81]  }
0xa7: {  	s11 =	sld [smem:$0x82]  }
0xa8: {  	s13 =	sld [smem:$0x80];
	s0 =	sshll.u32 s0, $0x9  }
0xa9: {  	s2 =	sshll.u32 s10, $0x9;
	s12 =	sshra.s32 s0, $0x2  }
0xaa: {  	s2 =	sshra.s32 s2, $0x2;
	s14 =	sshll.u32 s11, $0x9;
	v0 =	vld [tilespmem:s12+$0x0]  }
0xab: {  	s15 =	sshll.u32 s13, $0x9;
	v1 =	vld [tilespmem:s2+$0x0];
	s26 =	sshra.s32 s14, $0x2  }
0xac: {  	s11 =	sshra.s32 s15, $0x2;
	v2 =	vld [tilespmem:s26+$0x0]  }
0xad: {  	v3 =	vld [tilespmem:s11+$0x0]  }
0xae: {  	s0 =	simm.s32 $0x131F0  }
0xaf: {  	[tilespmem:s0+$0xFFFFFF90] =	vst v0  }
0xb0: {  	[tilespmem:s0+$0xFFFFFE90] =	vst v1;
	v0 =	vld [tilespmem:s12+$0x10]  }
0xb1: {  	v1 =	vld [tilespmem:s2+$0x10];
	[tilespmem:s0+$0xFFFFFF10] =	vst v2  }
0xb2: {  	[tilespmem:s0+$0xFFFFFE10] =	vst v3;
	v2 =	vld [tilespmem:s26+$0x10]  }
0xb3: {  	v3 =	vld [tilespmem:s11+$0x10];
	_ =	sdelay $0x1  }
0xb4: {  	[tilespmem:s0+$0xFFFFFFA0] =	vst v0  }
0xb5: {  	[tilespmem:s0+$0xFFFFFEA0] =	vst v1;
	v0 =	vld [tilespmem:s12+$0x20]  }
0xb6: {  	v1 =	vld [tilespmem:s2+$0x20];
	[tilespmem:s0+$0xFFFFFF20] =	vst v2  }
0xb7: {  	[tilespmem:s0+$0xFFFFFE20] =	vst v3;
	v2 =	vld [tilespmem:s26+$0x20]  }
0xb8: {  	v3 =	vld [tilespmem:s11+$0x20];
	_ =	sdelay $0x1  }
0xb9: {  	[tilespmem:s0+$0xFFFFFFB0] =	vst v0  }
0xba: {  	[tilespmem:s0+$0xFFFFFEB0] =	vst v1;
	v0 =	vld [tilespmem:s12+$0x30]  }
0xbb: {  	v1 =	vld [tilespmem:s2+$0x30];
	[tilespmem:s0+$0xFFFFFF30] =	vst v2  }
0xbc: {  	[tilespmem:s0+$0xFFFFFE30] =	vst v3;
	v2 =	vld [tilespmem:s26+$0x30]  }
0xbd: {  	v3 =	vld [tilespmem:s11+$0x30];
	_ =	sdelay $0x1  }
0xbe: {  	[tilespmem:s0+$0xFFFFFFC0] =	vst v0  }
0xbf: {  	[tilespmem:s0+$0xFFFFFEC0] =	vst v1;
	v0 =	vld [tilespmem:s12+$0x40]  }
0xc0: {  	v1 =	vld [tilespmem:s2+$0x40];
	[tilespmem:s0+$0xFFFFFF40] =	vst v2  }
0xc1: {  	[tilespmem:s0+$0xFFFFFE40] =	vst v3  }
0xc2: {  	v2 =	vld [tilespmem:s26+$0x40];
	s18 =	sld [smem:$0x87]  }
0xc3: {  	v3 =	vld [tilespmem:s11+$0x40];
	s20 =	sld [smem:$0x85]  }
0xc4: {  	s30 =	sld [smem:$0x86];
	[tilespmem:s0+$0xFFFFFFD0] =	vst v0  }
0xc5: {  	s13 =	sld [smem:$0x84];
	s6 =	sshll.u32 s18, $0x9;
	[tilespmem:s0+$0xFFFFFED0] =	vst v1;
	v0 =	vld [tilespmem:s12+$0x50]  }
0xc6: {  	s7 =	sshll.u32 s20, $0x9;
	s6 =	sshra.s32 s6, $0x2;
	v1 =	vld [tilespmem:s2+$0x50]  }
0xc7: {  	s9 =	sshra.s32 s7, $0x2;
	s31 =	sshll.u32 s30, $0x9;
	v4 =	vld [tilespmem:s6+$0x0]  }
0xc8: {  	[tilespmem:s0+$0xFFFFFF50] =	vst v2;
	s13 =	sshll.u32 s13, $0x9;
	v2 =	vld [tilespmem:s9+$0x0];
	s10 =	sshra.s32 s31, $0x2  }
0xc9: {  	[tilespmem:s0+$0xFFFFFE50] =	vst v3;
	s7 =	sshra.s32 s13, $0x2;
	v3 =	vld [tilespmem:s10+$0x0]  }
0xca: {  	v5 =	vld [tilespmem:s7+$0x0];
	[tilespmem:s0+$0xFFFFFFE0] =	vst v0  }
0xcb: {  	s18 =	simm.s32 $0x133F0;
	[tilespmem:s0+$0xFFFFFEE0] =	vst v1;
	v0 =	vld [tilespmem:s12+$0x60]  }
0xcc: {  	v1 =	vld [tilespmem:s11+$0x50];
	[tilespmem:s18+$0xFFFFFF90] =	vst v4  }
0xcd: {  	[tilespmem:s18+$0xFFFFFE90] =	vst v2;
	v2 =	vld [tilespmem:s6+$0x10]  }
0xce: {  	v4 =	vld [tilespmem:s9+$0x10];
	[tilespmem:s18+$0xFFFFFF10] =	vst v3  }
0xcf: {  	[tilespmem:s18+$0xFFFFFE10] =	vst v5;
	v3 =	vld [tilespmem:s10+$0x10]  }
0xd0: {  	v5 =	vld [tilespmem:s7+$0x10];
	[tilespmem:s0+$0xFFFFFFF0] =	vst v0  }
0xd1: {  	[tilespmem:s0+$0xFFFFFE60] =	vst v1;
	v1 =	vld [tilespmem:s26+$0x50]  }
0xd2: {  	v0 =	vld [tilespmem:s12+$0x70];
	[tilespmem:s18+$0xFFFFFFA0] =	vst v2  }
0xd3: {  	[tilespmem:s18+$0xFFFFFEA0] =	vst v4;
	v2 =	vld [tilespmem:s6+$0x20]  }
0xd4: {  	v4 =	vld [tilespmem:s9+$0x20];
	[tilespmem:s18+$0xFFFFFF20] =	vst v3  }
0xd5: {  	[tilespmem:s18+$0xFFFFFE20] =	vst v5;
	v3 =	vld [tilespmem:s10+$0x20]  }
0xd6: {  	[tilespmem:s0+$0xFFFFFF60] =	vst v1;
	v5 =	vld [tilespmem:s7+$0x20]  }
0xd7: {  	v1 =	vld [tilespmem:s2+$0x60];
	[tilespmem:s0+$0x0] =	vst v0  }
0xd8: {  	v0 =	vld [tilespmem:s11+$0x60];
	[tilespmem:s18+$0xFFFFFFB0] =	vst v2  }
0xd9: {  	[tilespmem:s18+$0xFFFFFEB0] =	vst v4;
	v2 =	vld [tilespmem:s6+$0x30]  }
0xda: {  	v4 =	vld [tilespmem:s9+$0x30];
	[tilespmem:s18+$0xFFFFFF30] =	vst v3  }
0xdb: {  	[tilespmem:s18+$0xFFFFFE30] =	vst v5;
	v5 =	vld [tilespmem:s10+$0x30]  }
0xdc: {  	[tilespmem:s0+$0xFFFFFEF0] =	vst v1;
	v6 =	vld [tilespmem:s7+$0x30]  }
0xdd: {  	v1 =	vld [tilespmem:s26+$0x60];
	[tilespmem:s0+$0xFFFFFE70] =	vst v0  }
0xde: {  	v0 =	vld [tilespmem:s11+$0x70];
	[tilespmem:s18+$0xFFFFFFC0] =	vst v2  }
0xdf: {  	[tilespmem:s18+$0xFFFFFEC0] =	vst v4;
	v4 =	vld [tilespmem:s6+$0x40]  }
0xe0: {  	v3 =	vld [tilespmem:s9+$0x40];
	[tilespmem:s18+$0xFFFFFF40] =	vst v5  }
0xe1: {  	s12 =	simm.s32 $0x8B;
	s11 =	simm.s32 $0x4;
	[tilespmem:s18+$0xFFFFFE40] =	vst v6;
	v2 =	vld [tilespmem:s10+$0x40]  }
.LBB2_4:
0xe2: {  	s13 =	sld [smem:s12+$0x0];
	s11 =	sadd.s32 $0x4, s11;
	v5 =	vld [tilespmem:s7+$0x40];
	[tilespmem:s0+$0xFFFFFF70] =	vst v1  }
0xe3: {  	s14 =	sld [smem:s12+$0xFFFFFFFE];
	p0 =	slt.u32 s11, $0x5C;
	[tilespmem:s0+$0xFFFFFE80] =	vst v0;
	v0 =	vld [tilespmem:s2+$0x70];
	s2 =	smov.u32 s9  }
0xe4: {  	s30 =	sld [smem:s12+$0xFFFFFFFF];
	[tilespmem:s18+$0xFFFFFFD0] =	vst v4;
	v1 =	vld [tilespmem:s26+$0x70];
	s26 =	smov.u32 s10  }
0xe5: {  	s10 =	sld [smem:s12+$0xFFFFFFFD];
	s9 =	sshll.u32 s13, $0x9;
	[tilespmem:s18+$0xFFFFFED0] =	vst v3;
	v3 =	vld [tilespmem:s6+$0x50]  }
0xe6: {  	s13 =	sshll.u32 s14, $0x9;
	s14 =	sshra.s32 s9, $0x2;
	v4 =	vld [tilespmem:s2+$0x50];
	[tilespmem:s18+$0xFFFFFF50] =	vst v2  }
0xe7: {  	s9 =	sshra.s32 s13, $0x2;
	s13 =	sshll.u32 s30, $0x9;
	v2 =	vld [tilespmem:s14+$0x0];
	[tilespmem:s18+$0xFFFFFE50] =	vst v5  }
0xe8: {  	s30 =	sshll.u32 s10, $0x9;
	v5 =	vld [tilespmem:s9+$0x0];
	s10 =	sshra.s32 s13, $0x2;
	[tilespmem:s0+$0xFFFFFF00] =	vst v0  }
0xe9: {  	s13 =	sshra.s32 s30, $0x2;
	v0 =	vld [tilespmem:s10+$0x0];
	[tilespmem:s0+$0xFFFFFF80] =	vst v1;
	s0 =	smov.u32 s18  }
0xea: {  	v1 =	vld [tilespmem:s13+$0x0];
	[tilespmem:s18+$0xFFFFFFE0] =	vst v3  }
0xeb: {  	s18 =	sadd.s32 $0x200, s18;
	[tilespmem:s0+$0xFFFFFEE0] =	vst v4;
	v3 =	vld [tilespmem:s6+$0x60]  }
0xec: {  	[tilespmem:s18+$0xFFFFFF90] =	vst v2;
	v2 =	vld [tilespmem:s7+$0x50]  }
0xed: {  	[tilespmem:s18+$0xFFFFFE90] =	vst v5;
	v4 =	vld [tilespmem:s14+$0x10]  }
0xee: {  	v5 =	vld [tilespmem:s9+$0x10];
	[tilespmem:s18+$0xFFFFFF10] =	vst v0  }
0xef: {  	[tilespmem:s18+$0xFFFFFE10] =	vst v1;
	v0 =	vld [tilespmem:s10+$0x10]  }
0xf0: {  	v1 =	vld [tilespmem:s13+$0x10];
	[tilespmem:s0+$0xFFFFFFF0] =	vst v3  }
0xf1: {  	[tilespmem:s0+$0xFFFFFE60] =	vst v2;
	v2 =	vld [tilespmem:s6+$0x70];
	s6 =	smov.u32 s14  }
0xf2: {  	[tilespmem:s18+$0xFFFFFFA0] =	vst v4;
	v3 =	vld [tilespmem:s26+$0x50]  }
0xf3: {  	[tilespmem:s18+$0xFFFFFEA0] =	vst v5;
	v4 =	vld [tilespmem:s6+$0x20]  }
0xf4: {  	v5 =	vld [tilespmem:s9+$0x20];
	[tilespmem:s18+$0xFFFFFF20] =	vst v0  }
0xf5: {  	[tilespmem:s18+$0xFFFFFE20] =	vst v1;
	v0 =	vld [tilespmem:s10+$0x20]  }
0xf6: {  	v1 =	vld [tilespmem:s13+$0x20];
	[tilespmem:s0+$0x0] =	vst v2  }
0xf7: {  	v2 =	vld [tilespmem:s7+$0x60];
	[tilespmem:s0+$0xFFFFFF60] =	vst v3  }
0xf8: {  	[tilespmem:s18+$0xFFFFFFB0] =	vst v4;
	v3 =	vld [tilespmem:s2+$0x60]  }
0xf9: {  	[tilespmem:s18+$0xFFFFFEB0] =	vst v5;
	v4 =	vld [tilespmem:s6+$0x30]  }
0xfa: {  	v5 =	vld [tilespmem:s9+$0x30];
	[tilespmem:s18+$0xFFFFFF30] =	vst v0  }
0xfb: {  	[tilespmem:s18+$0xFFFFFE30] =	vst v1;
	v6 =	vld [tilespmem:s10+$0x30]  }
0xfc: {  	v7 =	vld [tilespmem:s13+$0x30];
	[tilespmem:s0+$0xFFFFFE70] =	vst v2  }
.Ltmp1:
0xfd: {  	[tilespmem:s0+$0xFFFFFEF0] =	vst v3;
	v1 =	vld [tilespmem:s26+$0x60];
	(pc) =	sbr.rel @p0 .LBB2_4-.Ltmp1, $4  }
0xfe: {  	[tilespmem:s18+$0xFFFFFFC0] =	vst v4;
	v0 =	vld [tilespmem:s7+$0x70];
	s7 =	smov.u32 s13  }
0xff: {  	[tilespmem:s18+$0xFFFFFEC0] =	vst v5;
	v4 =	vld [tilespmem:s6+$0x40]  }
0x100: {  	v3 =	vld [tilespmem:s9+$0x40];
	[tilespmem:s18+$0xFFFFFF40] =	vst v6  }
0x101: {  	s12 =	sadd.s32 $0x4, s12;
	[tilespmem:s18+$0xFFFFFE40] =	vst v7;
	v2 =	vld [tilespmem:s10+$0x40]  }
0x102: {  	v5 =	vld [tilespmem:s7+$0x40];
	_ =	sdelay $0x1  }
0x103: {  	[tilespmem:s18+$0xFFFFFFD0] =	vst v4  }
0x104: {  	v4 =	vld [tilespmem:s6+$0x50];
	[tilespmem:s18+$0xFFFFFED0] =	vst v3  }
0x105: {  	v56 =	vld [tilespmem:s9+$0x50];
	[tilespmem:s18+$0xFFFFFF50] =	vst v2  }
0x106: {  	[tilespmem:s18+$0xFFFFFE50] =	vst v5;
	v2 =	vld [tilespmem:s10+$0x50]  }
0x107: {  	v55 =	vld [tilespmem:s7+$0x50];
	_ =	sdelay $0x1  }
0x108: {  	[tilespmem:s18+$0xFFFFFFE0] =	vst v4  }
0x109: {  	v4 =	vld [tilespmem:s6+$0x60];
	[tilespmem:s18+$0xFFFFFEE0] =	vst v56  }
0x10a: {  	[tilespmem:s18+$0xFFFFFF60] =	vst v2;
	v57 =	vld [tilespmem:s9+$0x60]  }
0x10b: {  	[tilespmem:s18+$0xFFFFFE60] =	vst v55;
	v58 =	vld [tilespmem:s10+$0x60]  }
0x10c: {  	[tilespmem:s0+$0xFFFFFF70] =	vst v1;
	v3 =	vld [tilespmem:s7+$0x60]  }
0x10d: {  	v59 =	vld [tilespmem:s2+$0x70];
	[tilespmem:s0+$0xFFFFFE80] =	vst v0  }
0x10e: {  	v60 =	vld [tilespmem:s26+$0x70];
	[tilespmem:s18+$0xFFFFFFF0] =	vst v4  }
0x10f: {  	v4 =	vld [tilespmem:s6+$0x70];
	[tilespmem:s18+$0xFFFFFEF0] =	vst v57  }
0x110: {  	[tilespmem:s18+$0xFFFFFF70] =	vst v58;
	v62 =	vld [tilespmem:s9+$0x70]  }
0x111: {  	[tilespmem:s18+$0xFFFFFE70] =	vst v3;
	v63 =	vld [tilespmem:s10+$0x70]  }
0x112: {  	[tilespmem:s0+$0xFFFFFF00] =	vst v59;
	v61 =	vld [tilespmem:s7+$0x70]  }
0x113: {  	[tilespmem:s0+$0xFFFFFF80] =	vst v60  }
0x114: {  	[tilespmem:s18+$0x0] =	vst v4  }
0x115: {  	[tilespmem:s18+$0xFFFFFF00] =	vst v62  }
0x116: {  	[tilespmem:s18+$0xFFFFFF80] =	vst v63  }
0x117: {  	[tilespmem:s18+$0xFFFFFE80] =	vst v61  }
0x118: {  	s30 =	simm.s32 $0x1;
	s0 =	rddreg [dreg:$0xa]  }
0x119: {  	[hbm4b:s0+s16] =	stream.strided.scatter [tilespmem:s23], [sflag:$0x2], $0x3000, s17, s16, $0x38;
	[tilespmem:$0x1AE90] =	vst v63  }
.LBB2_6:
0x11a: {  	s31 =	sshllo.u32 s30, $0x1  }
0x11b: {  	s0 =	smul.u32 $0x180, s31  }
0x11c: {  	_ =	swait.ge [sflag:s19], $0x60  }
0x11d: {  	[sflag:s19] =	ssyncset.done $0x0;
	s0 =	sshra.s32 s0, $0x2  }
0x11e: {  	[sflag:s19] =	ssyncadd.s32 $0xFFFFFFA0;
	s0 =	sadd.s32 s0, s8  }
0x11f: {  	[smem:s21], [sflag:$0x4] =	stream.linear.gather [spmem:s0], $0x60, $0x38;
	[tilespmem:$0x1AE90] =	vst v63  }
0x120: {  	_ =	swait.ge [sflag:s24], $0x3000  }
0x121: {  	[sflag:s24] =	ssyncset.done $0x0  }
0x122: {  	[sflag:s24] =	ssyncadd.s32 $0xFFFFD000  }
0x123: {  	s12 =	sld [smem:$0x3]  }
0x124: {  	s2 =	sld [smem:$0x1]  }
0x125: {  	s6 =	sld [smem:$0x2]  }
0x126: {  	s7 =	sld [smem:$0x0];
	s0 =	sshll.u32 s12, $0x9  }
0x127: {  	s2 =	sshll.u32 s2, $0x9;
	s12 =	sshra.s32 s0, $0x2  }
0x128: {  	s2 =	sshra.s32 s2, $0x2;
	s13 =	sshll.u32 s6, $0x9;
	v0 =	vld [tilespmem:s12+$0x0]  }
0x129: {  	s14 =	sshll.u32 s7, $0x9;
	v1 =	vld [tilespmem:s2+$0x0];
	s26 =	sshra.s32 s13, $0x2  }
0x12a: {  	s11 =	sshra.s32 s14, $0x2;
	v2 =	vld [tilespmem:s26+$0x0]  }
0x12b: {  	v3 =	vld [tilespmem:s11+$0x0]  }
0x12c: {  	s0 =	simm.s32 $0x10100  }
0x12d: {  	[tilespmem:s0+$0x80] =	vst v0  }
0x12e: {  	[tilespmem:s0+$0xFFFFFF80] =	vst v1;
	v0 =	vld [tilespmem:s12+$0x10]  }
0x12f: {  	v1 =	vld [tilespmem:s2+$0x10];
	[tilespmem:s0+$0x0] =	vst v2  }
0x130: {  	[tilespmem:s0+$0xFFFFFF00] =	vst v3;
	v2 =	vld [tilespmem:s26+$0x10]  }
0x131: {  	v3 =	vld [tilespmem:s11+$0x10];
	_ =	sdelay $0x1  }
0x132: {  	[tilespmem:s0+$0x90] =	vst v0  }
0x133: {  	[tilespmem:s0+$0xFFFFFF90] =	vst v1;
	v0 =	vld [tilespmem:s12+$0x20]  }
0x134: {  	v1 =	vld [tilespmem:s2+$0x20];
	[tilespmem:s0+$0x10] =	vst v2  }
0x135: {  	[tilespmem:s0+$0xFFFFFF10] =	vst v3;
	v2 =	vld [tilespmem:s26+$0x20]  }
0x136: {  	v3 =	vld [tilespmem:s11+$0x20];
	_ =	sdelay $0x1  }
0x137: {  	[tilespmem:s0+$0xA0] =	vst v0  }
0x138: {  	[tilespmem:s0+$0xFFFFFFA0] =	vst v1;
	v0 =	vld [tilespmem:s12+$0x30]  }
0x139: {  	v1 =	vld [tilespmem:s2+$0x30];
	[tilespmem:s0+$0x20] =	vst v2  }
0x13a: {  	[tilespmem:s0+$0xFFFFFF20] =	vst v3;
	v2 =	vld [tilespmem:s26+$0x30]  }
0x13b: {  	v3 =	vld [tilespmem:s11+$0x30];
	_ =	sdelay $0x1  }
0x13c: {  	[tilespmem:s0+$0xB0] =	vst v0  }
0x13d: {  	[tilespmem:s0+$0xFFFFFFB0] =	vst v1;
	v0 =	vld [tilespmem:s12+$0x40]  }
0x13e: {  	v1 =	vld [tilespmem:s2+$0x40];
	[tilespmem:s0+$0x30] =	vst v2  }
0x13f: {  	[tilespmem:s0+$0xFFFFFF30] =	vst v3  }
0x140: {  	v2 =	vld [tilespmem:s26+$0x40];
	s15 =	sld [smem:$0x7]  }
0x141: {  	v3 =	vld [tilespmem:s11+$0x40];
	s18 =	sld [smem:$0x5]  }
0x142: {  	s10 =	sld [smem:$0x6];
	[tilespmem:s0+$0xC0] =	vst v0  }
0x143: {  	s13 =	sld [smem:$0x4];
	s6 =	sshll.u32 s15, $0x9;
	[tilespmem:s0+$0xFFFFFFC0] =	vst v1;
	v0 =	vld [tilespmem:s12+$0x50]  }
0x144: {  	s7 =	sshll.u32 s18, $0x9;
	s6 =	sshra.s32 s6, $0x2;
	v1 =	vld [tilespmem:s2+$0x50]  }
0x145: {  	s9 =	sshra.s32 s7, $0x2;
	s20 =	sshll.u32 s10, $0x9;
	v4 =	vld [tilespmem:s6+$0x0]  }
0x146: {  	[tilespmem:s0+$0x40] =	vst v2;
	s13 =	sshll.u32 s13, $0x9;
	v2 =	vld [tilespmem:s9+$0x0];
	s10 =	sshra.s32 s20, $0x2  }
0x147: {  	[tilespmem:s0+$0xFFFFFF40] =	vst v3;
	s7 =	sshra.s32 s13, $0x2;
	v3 =	vld [tilespmem:s10+$0x0]  }
0x148: {  	v5 =	vld [tilespmem:s7+$0x0];
	[tilespmem:s0+$0xD0] =	vst v0  }
0x149: {  	s18 =	simm.s32 $0x10300;
	[tilespmem:s0+$0xFFFFFFD0] =	vst v1;
	v0 =	vld [tilespmem:s12+$0x60]  }
0x14a: {  	v1 =	vld [tilespmem:s11+$0x50];
	[tilespmem:s18+$0x80] =	vst v4  }
0x14b: {  	[tilespmem:s18+$0xFFFFFF80] =	vst v2;
	v2 =	vld [tilespmem:s6+$0x10]  }
0x14c: {  	v4 =	vld [tilespmem:s9+$0x10];
	[tilespmem:s18+$0x0] =	vst v3  }
0x14d: {  	[tilespmem:s18+$0xFFFFFF00] =	vst v5;
	v3 =	vld [tilespmem:s10+$0x10]  }
0x14e: {  	v5 =	vld [tilespmem:s7+$0x10];
	[tilespmem:s0+$0xE0] =	vst v0  }
0x14f: {  	[tilespmem:s0+$0xFFFFFF50] =	vst v1;
	v1 =	vld [tilespmem:s26+$0x50]  }
0x150: {  	v0 =	vld [tilespmem:s12+$0x70];
	[tilespmem:s18+$0x90] =	vst v2  }
0x151: {  	[tilespmem:s18+$0xFFFFFF90] =	vst v4;
	v2 =	vld [tilespmem:s6+$0x20]  }
0x152: {  	v4 =	vld [tilespmem:s9+$0x20];
	[tilespmem:s18+$0x10] =	vst v3  }
0x153: {  	[tilespmem:s18+$0xFFFFFF10] =	vst v5;
	v3 =	vld [tilespmem:s10+$0x20]  }
0x154: {  	[tilespmem:s0+$0x50] =	vst v1;
	v5 =	vld [tilespmem:s7+$0x20]  }
0x155: {  	v1 =	vld [tilespmem:s2+$0x60];
	[tilespmem:s0+$0xF0] =	vst v0  }
0x156: {  	v0 =	vld [tilespmem:s11+$0x60];
	[tilespmem:s18+$0xA0] =	vst v2  }
0x157: {  	[tilespmem:s18+$0xFFFFFFA0] =	vst v4;
	v2 =	vld [tilespmem:s6+$0x30]  }
0x158: {  	v4 =	vld [tilespmem:s9+$0x30];
	[tilespmem:s18+$0x20] =	vst v3  }
0x159: {  	[tilespmem:s18+$0xFFFFFF20] =	vst v5;
	v3 =	vld [tilespmem:s10+$0x30]  }
0x15a: {  	[tilespmem:s0+$0xFFFFFFE0] =	vst v1;
	v5 =	vld [tilespmem:s7+$0x30]  }
0x15b: {  	v1 =	vld [tilespmem:s26+$0x60];
	[tilespmem:s0+$0xFFFFFF60] =	vst v0  }
0x15c: {  	v0 =	vld [tilespmem:s11+$0x70];
	[tilespmem:s18+$0xB0] =	vst v2  }
0x15d: {  	[tilespmem:s18+$0xFFFFFFB0] =	vst v4;
	v4 =	vld [tilespmem:s6+$0x40]  }
0x15e: {  	v2 =	vld [tilespmem:s9+$0x40];
	[tilespmem:s18+$0x30] =	vst v3  }
0x15f: {  	s13 =	simm.s32 $0xA;
	s12 =	simm.s32 $0x4;
	s11 =	sshll.u32 s30, $0x1;
	[tilespmem:s18+$0xFFFFFF30] =	vst v5;
	v3 =	vld [tilespmem:s10+$0x40]  }
.LBB2_7:
0x160: {  	s14 =	sld [smem:s13+$0x1];
	s12 =	sadd.s32 $0x4, s12;
	v5 =	vld [tilespmem:s7+$0x40];
	[tilespmem:s0+$0x60] =	vst v1  }
0x161: {  	s15 =	sld [smem:s13+$0xFFFFFFFF];
	p0 =	slt.u32 s12, $0x5C;
	[tilespmem:s0+$0xFFFFFF70] =	vst v0;
	v0 =	vld [tilespmem:s2+$0x70];
	s2 =	smov.u32 s9  }
0x162: {  	s20 =	sld [smem:s13+$0x0];
	[tilespmem:s18+$0xC0] =	vst v4;
	v1 =	vld [tilespmem:s26+$0x70];
	s26 =	smov.u32 s10  }
0x163: {  	s10 =	sld [smem:s13+$0xFFFFFFFE];
	s9 =	sshll.u32 s14, $0x9;
	[tilespmem:s18+$0xFFFFFFC0] =	vst v2;
	v2 =	vld [tilespmem:s6+$0x50]  }
0x164: {  	s14 =	sshll.u32 s15, $0x9;
	s15 =	sshra.s32 s9, $0x2;
	v4 =	vld [tilespmem:s2+$0x50];
	[tilespmem:s18+$0x40] =	vst v3  }
0x165: {  	s9 =	sshra.s32 s14, $0x2;
	s14 =	sshll.u32 s20, $0x9;
	v3 =	vld [tilespmem:s15+$0x0];
	[tilespmem:s18+$0xFFFFFF40] =	vst v5  }
0x166: {  	s20 =	sshll.u32 s10, $0x9;
	v5 =	vld [tilespmem:s9+$0x0];
	s10 =	sshra.s32 s14, $0x2;
	[tilespmem:s0+$0xFFFFFFF0] =	vst v0  }
0x167: {  	s14 =	sshra.s32 s20, $0x2;
	v0 =	vld [tilespmem:s10+$0x0];
	[tilespmem:s0+$0x70] =	vst v1;
	s0 =	smov.u32 s18  }
0x168: {  	v1 =	vld [tilespmem:s14+$0x0];
	[tilespmem:s18+$0xD0] =	vst v2  }
0x169: {  	s18 =	sadd.s32 $0x200, s18;
	[tilespmem:s0+$0xFFFFFFD0] =	vst v4;
	v2 =	vld [tilespmem:s6+$0x60]  }
0x16a: {  	[tilespmem:s18+$0x80] =	vst v3;
	v3 =	vld [tilespmem:s7+$0x50]  }
0x16b: {  	[tilespmem:s18+$0xFFFFFF80] =	vst v5;
	v4 =	vld [tilespmem:s15+$0x10]  }
0x16c: {  	v5 =	vld [tilespmem:s9+$0x10];
	[tilespmem:s18+$0x0] =	vst v0  }
0x16d: {  	[tilespmem:s18+$0xFFFFFF00] =	vst v1;
	v0 =	vld [tilespmem:s10+$0x10]  }
0x16e: {  	v1 =	vld [tilespmem:s14+$0x10];
	[tilespmem:s0+$0xE0] =	vst v2  }
0x16f: {  	[tilespmem:s0+$0xFFFFFF50] =	vst v3;
	v2 =	vld [tilespmem:s6+$0x70];
	s6 =	smov.u32 s15  }
0x170: {  	[tilespmem:s18+$0x90] =	vst v4;
	v3 =	vld [tilespmem:s26+$0x50]  }
0x171: {  	[tilespmem:s18+$0xFFFFFF90] =	vst v5;
	v4 =	vld [tilespmem:s6+$0x20]  }
0x172: {  	v5 =	vld [tilespmem:s9+$0x20];
	[tilespmem:s18+$0x10] =	vst v0  }
0x173: {  	[tilespmem:s18+$0xFFFFFF10] =	vst v1;
	v0 =	vld [tilespmem:s10+$0x20]  }
0x174: {  	v1 =	vld [tilespmem:s14+$0x20];
	[tilespmem:s0+$0xF0] =	vst v2  }
0x175: {  	v2 =	vld [tilespmem:s7+$0x60];
	[tilespmem:s0+$0x50] =	vst v3  }
0x176: {  	[tilespmem:s18+$0xA0] =	vst v4;
	v3 =	vld [tilespmem:s2+$0x60]  }
0x177: {  	[tilespmem:s18+$0xFFFFFFA0] =	vst v5;
	v4 =	vld [tilespmem:s6+$0x30]  }
0x178: {  	v5 =	vld [tilespmem:s9+$0x30];
	[tilespmem:s18+$0x20] =	vst v0  }
0x179: {  	[tilespmem:s18+$0xFFFFFF20] =	vst v1;
	v6 =	vld [tilespmem:s10+$0x30]  }
0x17a: {  	v7 =	vld [tilespmem:s14+$0x30];
	[tilespmem:s0+$0xFFFFFF60] =	vst v2  }
.Ltmp2:
0x17b: {  	[tilespmem:s0+$0xFFFFFFE0] =	vst v3;
	v1 =	vld [tilespmem:s26+$0x60];
	(pc) =	sbr.rel @p0 .LBB2_7-.Ltmp2, $4  }
0x17c: {  	[tilespmem:s18+$0xB0] =	vst v4;
	v0 =	vld [tilespmem:s7+$0x70];
	s7 =	smov.u32 s14  }
0x17d: {  	[tilespmem:s18+$0xFFFFFFB0] =	vst v5;
	v4 =	vld [tilespmem:s6+$0x40]  }
0x17e: {  	v2 =	vld [tilespmem:s9+$0x40];
	[tilespmem:s18+$0x30] =	vst v6  }
0x17f: {  	s13 =	sadd.s32 $0x4, s13;
	[tilespmem:s18+$0xFFFFFF30] =	vst v7;
	v3 =	vld [tilespmem:s10+$0x40]  }
0x180: {  	v5 =	vld [tilespmem:s7+$0x40];
	_ =	sdelay $0x1  }
0x181: {  	[tilespmem:s18+$0xC0] =	vst v4  }
0x182: {  	[tilespmem:s18+$0xFFFFFFC0] =	vst v2  }
0x183: {  	v4 =	vld [tilespmem:s6+$0x50];
	[tilespmem:s18+$0x40] =	vst v3  }
0x184: {  	[tilespmem:s18+$0xFFFFFF40] =	vst v5;
	v5 =	vld [tilespmem:s9+$0x50]  }
0x185: {  	v3 =	vld [tilespmem:s10+$0x50]  }
0x186: {  	[tilespmem:s0+$0x60] =	vst v1;
	v2 =	vld [tilespmem:s7+$0x50]  }
0x187: {  	[tilespmem:s0+$0xFFFFFF70] =	vst v0  }
0x188: {  	v0 =	vld [tilespmem:s2+$0x70];
	[tilespmem:s18+$0xD0] =	vst v4  }
0x189: {  	v4 =	vld [tilespmem:s6+$0x60];
	[tilespmem:s18+$0xFFFFFFD0] =	vst v5  }
0x18a: {  	[tilespmem:s18+$0x50] =	vst v3;
	v3 =	vld [tilespmem:s9+$0x60]  }
0x18b: {  	[tilespmem:s18+$0xFFFFFF50] =	vst v2;
	v1 =	vld [tilespmem:s10+$0x60]  }
0x18c: {  	v2 =	vld [tilespmem:s7+$0x60]  }
0x18d: {  	[tilespmem:s0+$0xFFFFFFF0] =	vst v0  }
0x18e: {  	v5 =	vld [tilespmem:s26+$0x70];
	[tilespmem:s18+$0xE0] =	vst v4  }
0x18f: {  	v4 =	vld [tilespmem:s6+$0x70];
	[tilespmem:s18+$0xFFFFFFE0] =	vst v3  }
0x190: {  	[tilespmem:s18+$0x60] =	vst v1;
	v1 =	vld [tilespmem:s9+$0x70]  }
0x191: {  	s15 =	smul.u32 $0xC0, s30;
	[tilespmem:s18+$0xFFFFFF60] =	vst v2;
	v0 =	vld [tilespmem:s10+$0x70]  }
0x192: {  	v2 =	vld [tilespmem:s7+$0x70]  }
0x193: {  	s20 =	sadd.s32 s5, s15;
	[tilespmem:s0+$0x70] =	vst v5  }
0x194: {  	s0 =	sshll.u32 s20, $0x8;
	[tilespmem:s18+$0xF0] =	vst v4  }
0x195: {  	s0 =	sor.u32 s4, s0;
	[tilespmem:s18+$0xFFFFFFF0] =	vst v1  }
0x196: {  	s26 =	smin.u32 s11, $0x65;
	s0 =	sshrl.u32 s0, $0x3;
	[tilespmem:s18+$0x70] =	vst v0  }
0x197: {  	s2 =	smul.u32 $0x180, s26;
	s0 =	sadd.s32 s1, s0;
	[tilespmem:s18+$0xFFFFFF70] =	vst v2  }
0x198: {  	[hbm4b:s0+s16] =	stream.strided.scatter [tilespmem:s22], [sflag:$0x1], $0x3000, s17, s16, $0x38;
	[tilespmem:$0x1AE90] =	vst v63  }
0x199: {  	s2 =	sshrl.u32 s2, $0x2;
	_ =	swait.ge [sflag:s19], $0x60  }
0x19a: {  	s0 =	sadd.s32 s2, s8;
	[sflag:s19] =	ssyncset.done $0x0  }
0x19b: {  	s0 =	sadd.s32 $0xC0, s0;
	[sflag:s19] =	ssyncadd.s32 $0xFFFFFFA0  }
0x19c: {  	[smem:s3], [sflag:$0x4] =	stream.linear.gather [spmem:s0], $0x60, $0x38;
	[tilespmem:$0x1AE90] =	vst v63  }
0x19d: {  	_ =	swait.ge [sflag:s25], $0x3000  }
0x19e: {  	[sflag:s25] =	ssyncset.done $0x0  }
0x19f: {  	[sflag:s25] =	ssyncadd.s32 $0xFFFFD000  }
0x1a0: {  	s6 =	sld [smem:$0x83]  }
0x1a1: {  	s7 =	sld [smem:$0x81]  }
0x1a2: {  	s9 =	sld [smem:$0x82]  }
0x1a3: {  	s10 =	sld [smem:$0x80];
	s0 =	sshll.u32 s6, $0x9  }
0x1a4: {  	s2 =	sshll.u32 s7, $0x9;
	s12 =	sshra.s32 s0, $0x2  }
0x1a5: {  	s2 =	sshra.s32 s2, $0x2;
	s11 =	sshll.u32 s9, $0x9;
	v0 =	vld [tilespmem:s12+$0x0]  }
0x1a6: {  	s13 =	sshll.u32 s10, $0x9;
	v1 =	vld [tilespmem:s2+$0x0];
	s26 =	sshra.s32 s11, $0x2  }
0x1a7: {  	s11 =	sshra.s32 s13, $0x2;
	v2 =	vld [tilespmem:s26+$0x0]  }
0x1a8: {  	v3 =	vld [tilespmem:s11+$0x0]  }
0x1a9: {  	s0 =	simm.s32 $0x131F0  }
0x1aa: {  	[tilespmem:s0+$0xFFFFFF90] =	vst v0  }
0x1ab: {  	[tilespmem:s0+$0xFFFFFE90] =	vst v1;
	v0 =	vld [tilespmem:s12+$0x10]  }
0x1ac: {  	v1 =	vld [tilespmem:s2+$0x10];
	[tilespmem:s0+$0xFFFFFF10] =	vst v2  }
0x1ad: {  	[tilespmem:s0+$0xFFFFFE10] =	vst v3;
	v2 =	vld [tilespmem:s26+$0x10]  }
0x1ae: {  	v3 =	vld [tilespmem:s11+$0x10];
	_ =	sdelay $0x1  }
0x1af: {  	[tilespmem:s0+$0xFFFFFFA0] =	vst v0  }
0x1b0: {  	[tilespmem:s0+$0xFFFFFEA0] =	vst v1;
	v0 =	vld [tilespmem:s12+$0x20]  }
0x1b1: {  	v1 =	vld [tilespmem:s2+$0x20];
	[tilespmem:s0+$0xFFFFFF20] =	vst v2  }
0x1b2: {  	[tilespmem:s0+$0xFFFFFE20] =	vst v3;
	v2 =	vld [tilespmem:s26+$0x20]  }
0x1b3: {  	v3 =	vld [tilespmem:s11+$0x20];
	_ =	sdelay $0x1  }
0x1b4: {  	[tilespmem:s0+$0xFFFFFFB0] =	vst v0  }
0x1b5: {  	[tilespmem:s0+$0xFFFFFEB0] =	vst v1;
	v0 =	vld [tilespmem:s12+$0x30]  }
0x1b6: {  	v1 =	vld [tilespmem:s2+$0x30];
	[tilespmem:s0+$0xFFFFFF30] =	vst v2  }
0x1b7: {  	[tilespmem:s0+$0xFFFFFE30] =	vst v3;
	v2 =	vld [tilespmem:s26+$0x30]  }
0x1b8: {  	v3 =	vld [tilespmem:s11+$0x30];
	_ =	sdelay $0x1  }
0x1b9: {  	[tilespmem:s0+$0xFFFFFFC0] =	vst v0  }
0x1ba: {  	[tilespmem:s0+$0xFFFFFEC0] =	vst v1;
	v0 =	vld [tilespmem:s12+$0x40]  }
0x1bb: {  	v1 =	vld [tilespmem:s2+$0x40];
	[tilespmem:s0+$0xFFFFFF40] =	vst v2  }
0x1bc: {  	[tilespmem:s0+$0xFFFFFE40] =	vst v3  }
0x1bd: {  	v2 =	vld [tilespmem:s26+$0x40];
	s14 =	sld [smem:$0x87]  }
0x1be: {  	v3 =	vld [tilespmem:s11+$0x40];
	s15 =	sld [smem:$0x85]  }
0x1bf: {  	s18 =	sld [smem:$0x86];
	[tilespmem:s0+$0xFFFFFFD0] =	vst v0  }
0x1c0: {  	s13 =	sld [smem:$0x84];
	s6 =	sshll.u32 s14, $0x9;
	[tilespmem:s0+$0xFFFFFED0] =	vst v1;
	v0 =	vld [tilespmem:s12+$0x50]  }
0x1c1: {  	s7 =	sshll.u32 s15, $0x9;
	s6 =	sshra.s32 s6, $0x2;
	v1 =	vld [tilespmem:s2+$0x50]  }
0x1c2: {  	s9 =	sshra.s32 s7, $0x2;
	s20 =	sshll.u32 s18, $0x9;
	v4 =	vld [tilespmem:s6+$0x0]  }
0x1c3: {  	[tilespmem:s0+$0xFFFFFF50] =	vst v2;
	s13 =	sshll.u32 s13, $0x9;
	v2 =	vld [tilespmem:s9+$0x0];
	s10 =	sshra.s32 s20, $0x2  }
0x1c4: {  	[tilespmem:s0+$0xFFFFFE50] =	vst v3;
	s7 =	sshra.s32 s13, $0x2;
	v3 =	vld [tilespmem:s10+$0x0]  }
0x1c5: {  	v5 =	vld [tilespmem:s7+$0x0];
	[tilespmem:s0+$0xFFFFFFE0] =	vst v0  }
0x1c6: {  	s18 =	simm.s32 $0x133F0;
	[tilespmem:s0+$0xFFFFFEE0] =	vst v1;
	v0 =	vld [tilespmem:s12+$0x60]  }
0x1c7: {  	v1 =	vld [tilespmem:s11+$0x50];
	[tilespmem:s18+$0xFFFFFF90] =	vst v4  }
0x1c8: {  	[tilespmem:s18+$0xFFFFFE90] =	vst v2;
	v2 =	vld [tilespmem:s6+$0x10]  }
0x1c9: {  	v4 =	vld [tilespmem:s9+$0x10];
	[tilespmem:s18+$0xFFFFFF10] =	vst v3  }
0x1ca: {  	[tilespmem:s18+$0xFFFFFE10] =	vst v5;
	v3 =	vld [tilespmem:s10+$0x10]  }
0x1cb: {  	v5 =	vld [tilespmem:s7+$0x10];
	[tilespmem:s0+$0xFFFFFFF0] =	vst v0  }
0x1cc: {  	[tilespmem:s0+$0xFFFFFE60] =	vst v1;
	v1 =	vld [tilespmem:s26+$0x50]  }
0x1cd: {  	v0 =	vld [tilespmem:s12+$0x70];
	[tilespmem:s18+$0xFFFFFFA0] =	vst v2  }
0x1ce: {  	[tilespmem:s18+$0xFFFFFEA0] =	vst v4;
	v2 =	vld [tilespmem:s6+$0x20]  }
0x1cf: {  	v4 =	vld [tilespmem:s9+$0x20];
	[tilespmem:s18+$0xFFFFFF20] =	vst v3  }
0x1d0: {  	[tilespmem:s18+$0xFFFFFE20] =	vst v5;
	v3 =	vld [tilespmem:s10+$0x20]  }
0x1d1: {  	[tilespmem:s0+$0xFFFFFF60] =	vst v1;
	v5 =	vld [tilespmem:s7+$0x20]  }
0x1d2: {  	v1 =	vld [tilespmem:s2+$0x60];
	[tilespmem:s0+$0x0] =	vst v0  }
0x1d3: {  	v0 =	vld [tilespmem:s11+$0x60];
	[tilespmem:s18+$0xFFFFFFB0] =	vst v2  }
0x1d4: {  	[tilespmem:s18+$0xFFFFFEB0] =	vst v4;
	v2 =	vld [tilespmem:s6+$0x30]  }
0x1d5: {  	v4 =	vld [tilespmem:s9+$0x30];
	[tilespmem:s18+$0xFFFFFF30] =	vst v3  }
0x1d6: {  	[tilespmem:s18+$0xFFFFFE30] =	vst v5;
	v5 =	vld [tilespmem:s10+$0x30]  }
0x1d7: {  	[tilespmem:s0+$0xFFFFFEF0] =	vst v1;
	v6 =	vld [tilespmem:s7+$0x30]  }
0x1d8: {  	v1 =	vld [tilespmem:s26+$0x60];
	[tilespmem:s0+$0xFFFFFE70] =	vst v0  }
0x1d9: {  	v0 =	vld [tilespmem:s11+$0x70];
	[tilespmem:s18+$0xFFFFFFC0] =	vst v2  }
0x1da: {  	[tilespmem:s18+$0xFFFFFEC0] =	vst v4;
	v4 =	vld [tilespmem:s6+$0x40]  }
0x1db: {  	v3 =	vld [tilespmem:s9+$0x40];
	[tilespmem:s18+$0xFFFFFF40] =	vst v5  }
0x1dc: {  	s12 =	simm.s32 $0x8B;
	s11 =	simm.s32 $0x4;
	[tilespmem:s18+$0xFFFFFE40] =	vst v6;
	v2 =	vld [tilespmem:s10+$0x40]  }
.LBB2_9:
0x1dd: {  	s13 =	sld [smem:s12+$0x0];
	s11 =	sadd.s32 $0x4, s11;
	v5 =	vld [tilespmem:s7+$0x40];
	[tilespmem:s0+$0xFFFFFF70] =	vst v1  }
0x1de: {  	s14 =	sld [smem:s12+$0xFFFFFFFE];
	p0 =	slt.u32 s11, $0x5C;
	[tilespmem:s0+$0xFFFFFE80] =	vst v0;
	v0 =	vld [tilespmem:s2+$0x70];
	s2 =	smov.u32 s9  }
0x1df: {  	s15 =	sld [smem:s12+$0xFFFFFFFF];
	[tilespmem:s18+$0xFFFFFFD0] =	vst v4;
	v1 =	vld [tilespmem:s26+$0x70];
	s26 =	smov.u32 s10  }
0x1e0: {  	s10 =	sld [smem:s12+$0xFFFFFFFD];
	s9 =	sshll.u32 s13, $0x9;
	[tilespmem:s18+$0xFFFFFED0] =	vst v3;
	v3 =	vld [tilespmem:s6+$0x50]  }
0x1e1: {  	s13 =	sshll.u32 s14, $0x9;
	s14 =	sshra.s32 s9, $0x2;
	v4 =	vld [tilespmem:s2+$0x50];
	[tilespmem:s18+$0xFFFFFF50] =	vst v2  }
0x1e2: {  	s9 =	sshra.s32 s13, $0x2;
	s13 =	sshll.u32 s15, $0x9;
	v2 =	vld [tilespmem:s14+$0x0];
	[tilespmem:s18+$0xFFFFFE50] =	vst v5  }
0x1e3: {  	s15 =	sshll.u32 s10, $0x9;
	v5 =	vld [tilespmem:s9+$0x0];
	s10 =	sshra.s32 s13, $0x2;
	[tilespmem:s0+$0xFFFFFF00] =	vst v0  }
0x1e4: {  	s13 =	sshra.s32 s15, $0x2;
	v0 =	vld [tilespmem:s10+$0x0];
	[tilespmem:s0+$0xFFFFFF80] =	vst v1;
	s0 =	smov.u32 s18  }
0x1e5: {  	v1 =	vld [tilespmem:s13+$0x0];
	[tilespmem:s18+$0xFFFFFFE0] =	vst v3  }
0x1e6: {  	s18 =	sadd.s32 $0x200, s18;
	[tilespmem:s0+$0xFFFFFEE0] =	vst v4;
	v3 =	vld [tilespmem:s6+$0x60]  }
0x1e7: {  	[tilespmem:s18+$0xFFFFFF90] =	vst v2;
	v2 =	vld [tilespmem:s7+$0x50]  }
0x1e8: {  	[tilespmem:s18+$0xFFFFFE90] =	vst v5;
	v4 =	vld [tilespmem:s14+$0x10]  }
0x1e9: {  	v5 =	vld [tilespmem:s9+$0x10];
	[tilespmem:s18+$0xFFFFFF10] =	vst v0  }
0x1ea: {  	[tilespmem:s18+$0xFFFFFE10] =	vst v1;
	v0 =	vld [tilespmem:s10+$0x10]  }
0x1eb: {  	v1 =	vld [tilespmem:s13+$0x10];
	[tilespmem:s0+$0xFFFFFFF0] =	vst v3  }
0x1ec: {  	[tilespmem:s0+$0xFFFFFE60] =	vst v2;
	v2 =	vld [tilespmem:s6+$0x70];
	s6 =	smov.u32 s14  }
0x1ed: {  	[tilespmem:s18+$0xFFFFFFA0] =	vst v4;
	v3 =	vld [tilespmem:s26+$0x50]  }
0x1ee: {  	[tilespmem:s18+$0xFFFFFEA0] =	vst v5;
	v4 =	vld [tilespmem:s6+$0x20]  }
0x1ef: {  	v5 =	vld [tilespmem:s9+$0x20];
	[tilespmem:s18+$0xFFFFFF20] =	vst v0  }
0x1f0: {  	[tilespmem:s18+$0xFFFFFE20] =	vst v1;
	v0 =	vld [tilespmem:s10+$0x20]  }
0x1f1: {  	v1 =	vld [tilespmem:s13+$0x20];
	[tilespmem:s0+$0x0] =	vst v2  }
0x1f2: {  	v2 =	vld [tilespmem:s7+$0x60];
	[tilespmem:s0+$0xFFFFFF60] =	vst v3  }
0x1f3: {  	[tilespmem:s18+$0xFFFFFFB0] =	vst v4;
	v3 =	vld [tilespmem:s2+$0x60]  }
0x1f4: {  	[tilespmem:s18+$0xFFFFFEB0] =	vst v5;
	v4 =	vld [tilespmem:s6+$0x30]  }
0x1f5: {  	v5 =	vld [tilespmem:s9+$0x30];
	[tilespmem:s18+$0xFFFFFF30] =	vst v0  }
0x1f6: {  	[tilespmem:s18+$0xFFFFFE30] =	vst v1;
	v6 =	vld [tilespmem:s10+$0x30]  }
0x1f7: {  	v7 =	vld [tilespmem:s13+$0x30];
	[tilespmem:s0+$0xFFFFFE70] =	vst v2  }
.Ltmp3:
0x1f8: {  	[tilespmem:s0+$0xFFFFFEF0] =	vst v3;
	v1 =	vld [tilespmem:s26+$0x60];
	(pc) =	sbr.rel @p0 .LBB2_9-.Ltmp3, $4  }
0x1f9: {  	[tilespmem:s18+$0xFFFFFFC0] =	vst v4;
	v0 =	vld [tilespmem:s7+$0x70];
	s7 =	smov.u32 s13  }
0x1fa: {  	[tilespmem:s18+$0xFFFFFEC0] =	vst v5;
	v4 =	vld [tilespmem:s6+$0x40]  }
0x1fb: {  	v3 =	vld [tilespmem:s9+$0x40];
	[tilespmem:s18+$0xFFFFFF40] =	vst v6  }
0x1fc: {  	s12 =	sadd.s32 $0x4, s12;
	[tilespmem:s18+$0xFFFFFE40] =	vst v7;
	v2 =	vld [tilespmem:s10+$0x40]  }
0x1fd: {  	v5 =	vld [tilespmem:s7+$0x40];
	_ =	sdelay $0x1  }
0x1fe: {  	[tilespmem:s18+$0xFFFFFFD0] =	vst v4  }
0x1ff: {  	v4 =	vld [tilespmem:s6+$0x50];
	[tilespmem:s18+$0xFFFFFED0] =	vst v3  }
0x200: {  	v56 =	vld [tilespmem:s9+$0x50];
	[tilespmem:s18+$0xFFFFFF50] =	vst v2  }
0x201: {  	[tilespmem:s18+$0xFFFFFE50] =	vst v5;
	v2 =	vld [tilespmem:s10+$0x50]  }
0x202: {  	v55 =	vld [tilespmem:s7+$0x50];
	_ =	sdelay $0x1  }
0x203: {  	[tilespmem:s18+$0xFFFFFFE0] =	vst v4  }
0x204: {  	v4 =	vld [tilespmem:s6+$0x60];
	[tilespmem:s18+$0xFFFFFEE0] =	vst v56  }
0x205: {  	[tilespmem:s18+$0xFFFFFF60] =	vst v2;
	v57 =	vld [tilespmem:s9+$0x60]  }
0x206: {  	[tilespmem:s18+$0xFFFFFE60] =	vst v55;
	v58 =	vld [tilespmem:s10+$0x60]  }
0x207: {  	[tilespmem:s0+$0xFFFFFF70] =	vst v1;
	v3 =	vld [tilespmem:s7+$0x60]  }
0x208: {  	v59 =	vld [tilespmem:s2+$0x70];
	[tilespmem:s0+$0xFFFFFE80] =	vst v0  }
0x209: {  	v60 =	vld [tilespmem:s26+$0x70];
	[tilespmem:s18+$0xFFFFFFF0] =	vst v4  }
0x20a: {  	v4 =	vld [tilespmem:s6+$0x70];
	[tilespmem:s18+$0xFFFFFEF0] =	vst v57  }
0x20b: {  	[tilespmem:s18+$0xFFFFFF70] =	vst v58;
	v62 =	vld [tilespmem:s9+$0x70]  }
0x20c: {  	s26 =	smul.u32 $0x60, s31;
	[tilespmem:s18+$0xFFFFFE70] =	vst v3;
	v63 =	vld [tilespmem:s10+$0x70]  }
0x20d: {  	s30 =	sadd.s32 $0x1, s30;
	[tilespmem:s0+$0xFFFFFF00] =	vst v59;
	v61 =	vld [tilespmem:s7+$0x70]  }
0x20e: {  	p0 =	sne.s32 s30, $0x34;
	s31 =	sadd.s32 s5, s26;
	[tilespmem:s0+$0xFFFFFF80] =	vst v60  }
.Ltmp4:
0x20f: {  	s0 =	sshll.u32 s31, $0x8;
	[tilespmem:s18+$0x0] =	vst v4;
	(pc) =	sbr.rel @p0 .LBB2_6-.Ltmp4, $4  }
0x210: {  	s0 =	sor.u32 s4, s0;
	[tilespmem:s18+$0xFFFFFF00] =	vst v62  }
0x211: {  	s0 =	sshrl.u32 s0, $0x3;
	[tilespmem:s18+$0xFFFFFF80] =	vst v63  }
0x212: {  	s0 =	sadd.s32 s1, s0;
	[tilespmem:s18+$0xFFFFFE80] =	vst v61  }
0x213: {  	[hbm4b:s0+s16] =	stream.strided.scatter [tilespmem:s23], [sflag:$0x2], $0x3000, s17, s16, $0x38;
	[tilespmem:$0x1AE90] =	vst v63  }
0x214: {  	_ =	swait.ge [sflag:s19], $0x60  }
0x215: {  	[sflag:s19] =	ssyncset.done $0x0  }
0x216: {  	[sflag:s19] =	ssyncadd.s32 $0xFFFFFFA0  }
0x217: {  	_ =	swait.ge [sflag:s24], $0x3000  }
0x218: {  	[sflag:s24] =	ssyncset.done $0x0  }
0x219: {  	[sflag:s24] =	ssyncadd.s32 $0xFFFFD000  }
0x21a: {  	_ =	swait.ge [sflag:s25], $0x3000  }
0x21b: {  	[sflag:s25] =	ssyncset.done $0x0  }
0x21c: {  	s2 =	simm.s32 $0x100;
	s0 =	rddreg [dreg:$0xb];
	[sflag:s25] =	ssyncadd.s32 $0xFFFFD000  }
0x21d: {  	[smem:s2], [sflag:$0x5] =	stream.linear.gather [spmem:s0], $0x10, $0x38;
	[tilespmem:$0x1AE90] =	vst v63  }
0x21e: {  	_ =	swait.ge [sflag:s28], $0x10  }
0x21f: {  	[sflag:s28] =	ssyncset.done $0x0  }
0x220: {  	[sflag:s28] =	ssyncadd.s32 $0xFFFFFFF0  }
0x221: {  	s26 =	sld [smem:$0x101]  }
0x222: {  	s30 =	sld [smem:$0x100];
	_ =	sdelay $0x1  }
0x223: {  	s0 =	sshll.u32 s26, $0x9  }
0x224: {  	s13 =	sshra.s32 s0, $0x2;
	s31 =	sshll.u32 s30, $0x9  }
0x225: {  	v0 =	vld [tilespmem:s13+$0x0];
	s2 =	sshra.s32 s31, $0x2  }
0x226: {  	v1 =	vld [tilespmem:s2+$0x0];
	_ =	sdelay $0x2  }
0x227: {  	s0 =	simm.s32 $0x10080  }
0x228: {  	[tilespmem:s0+$0x0] =	vst v0  }
0x229: {  	v0 =	vld [tilespmem:s13+$0x10];
	[tilespmem:s0+$0xFFFFFF80] =	vst v1  }
0x22a: {  	v1 =	vld [tilespmem:s2+$0x10];
	_ =	sdelay $0x3  }
0x22b: {  	s6 =	sld [smem:$0x103];
	[tilespmem:s0+$0x10] =	vst v0  }
0x22c: {  	s7 =	sld [smem:$0x102];
	[tilespmem:s0+$0xFFFFFF90] =	vst v1;
	v0 =	vld [tilespmem:s13+$0x20]  }
0x22d: {  	v1 =	vld [tilespmem:s2+$0x20]  }
0x22e: {  	s6 =	sshll.u32 s6, $0x9  }
0x22f: {  	s9 =	sshll.u32 s7, $0x9;
	s7 =	sshra.s32 s6, $0x2  }
0x230: {  	s9 =	sshra.s32 s9, $0x2;
	v2 =	vld [tilespmem:s7+$0x0]  }
0x231: {  	v3 =	vld [tilespmem:s9+$0x0];
	[tilespmem:s0+$0x20] =	vst v0  }
0x232: {  	[tilespmem:s0+$0xFFFFFFA0] =	vst v1;
	v0 =	vld [tilespmem:s13+$0x30]  }
0x233: {  	v1 =	vld [tilespmem:s2+$0x30]  }
0x234: {  	s6 =	simm.s32 $0x10180  }
0x235: {  	[tilespmem:s6+$0x0] =	vst v2  }
0x236: {  	[tilespmem:s6+$0xFFFFFF80] =	vst v3;
	v2 =	vld [tilespmem:s7+$0x10]  }
0x237: {  	v3 =	vld [tilespmem:s9+$0x10];
	[tilespmem:s0+$0x30] =	vst v0  }
0x238: {  	[tilespmem:s0+$0xFFFFFFB0] =	vst v1;
	v0 =	vld [tilespmem:s13+$0x40]  }
0x239: {  	v1 =	vld [tilespmem:s2+$0x40];
	_ =	sdelay $0x1  }
0x23a: {  	s10 =	sld [smem:$0x105];
	[tilespmem:s6+$0x10] =	vst v2  }
0x23b: {  	s11 =	sld [smem:$0x104];
	[tilespmem:s6+$0xFFFFFF90] =	vst v3;
	v2 =	vld [tilespmem:s7+$0x20]  }
0x23c: {  	v3 =	vld [tilespmem:s9+$0x20];
	[tilespmem:s0+$0x40] =	vst v0  }
0x23d: {  	s10 =	sshll.u32 s10, $0x9;
	[tilespmem:s0+$0xFFFFFFC0] =	vst v1;
	v0 =	vld [tilespmem:s13+$0x50]  }
0x23e: {  	s10 =	sshra.s32 s10, $0x2;
	s11 =	sshll.u32 s11, $0x9;
	v1 =	vld [tilespmem:s2+$0x50]  }
0x23f: {  	v4 =	vld [tilespmem:s10+$0x0];
	s12 =	sshra.s32 s11, $0x2  }
0x240: {  	v5 =	vld [tilespmem:s12+$0x0];
	[tilespmem:s6+$0x20] =	vst v2  }
0x241: {  	[tilespmem:s6+$0xFFFFFFA0] =	vst v3;
	v2 =	vld [tilespmem:s7+$0x30]  }
0x242: {  	v6 =	vld [tilespmem:s9+$0x30];
	[tilespmem:s0+$0x50] =	vst v0  }
0x243: {  	s11 =	simm.s32 $0x10280;
	[tilespmem:s0+$0xFFFFFFD0] =	vst v1;
	v0 =	vld [tilespmem:s13+$0x60]  }
0x244: {  	[tilespmem:s11+$0x0] =	vst v4;
	v7 =	vld [tilespmem:s2+$0x60]  }
0x245: {  	v4 =	vld [tilespmem:s10+$0x10];
	[tilespmem:s11+$0xFFFFFF80] =	vst v5  }
0x246: {  	v3 =	vld [tilespmem:s12+$0x10];
	[tilespmem:s6+$0x30] =	vst v2  }
0x247: {  	[tilespmem:s6+$0xFFFFFFB0] =	vst v6;
	v2 =	vld [tilespmem:s7+$0x40]  }
0x248: {  	v1 =	vld [tilespmem:s9+$0x40];
	[tilespmem:s0+$0x60] =	vst v0  }
0x249: {  	s18 =	simm.s32 $0x4;
	s26 =	simm.s32 $0x107;
	[tilespmem:s0+$0xFFFFFFE0] =	vst v7;
	v0 =	vld [tilespmem:s13+$0x70]  }
.LBB2_12:
0x24a: {  	s13 =	sld [smem:s26+$0x0];
	s18 =	sadd.s32 $0x2, s18;
	[tilespmem:s11+$0x10] =	vst v4;
	v4 =	vld [tilespmem:s2+$0x70];
	s2 =	smov.u32 s9  }
0x24b: {  	s9 =	smov.u32 s12;
	s14 =	sld [smem:s26+$0xFFFFFFFF];
	p0 =	slt.u32 s18, $0xE;
	[tilespmem:s11+$0xFFFFFF90] =	vst v3;
	v3 =	vld [tilespmem:s10+$0x20]  }
0x24c: {  	v5 =	vld [tilespmem:s9+$0x20];
	[tilespmem:s6+$0x40] =	vst v2  }
0x24d: {  	s12 =	sshll.u32 s13, $0x9;
	[tilespmem:s6+$0xFFFFFFC0] =	vst v1;
	v1 =	vld [tilespmem:s7+$0x50]  }
0x24e: {  	s13 =	sshll.u32 s14, $0x9;
	s14 =	sshra.s32 s12, $0x2;
	v2 =	vld [tilespmem:s2+$0x50];
	[tilespmem:s0+$0x70] =	vst v0  }
0x24f: {  	s12 =	sshra.s32 s13, $0x2;
	v0 =	vld [tilespmem:s14+$0x0];
	[tilespmem:s0+$0xFFFFFFF0] =	vst v4;
	s0 =	smov.u32 s6;
	s6 =	smov.u32 s11  }
0x250: {  	v4 =	vld [tilespmem:s12+$0x0];
	[tilespmem:s11+$0x20] =	vst v3  }
0x251: {  	[tilespmem:s11+$0xFFFFFFA0] =	vst v5;
	v5 =	vld [tilespmem:s10+$0x30]  }
0x252: {  	v6 =	vld [tilespmem:s9+$0x30];
	[tilespmem:s0+$0x50] =	vst v1  }
0x253: {  	s11 =	sadd.s32 $0x100, s11;
	[tilespmem:s0+$0xFFFFFFD0] =	vst v2;
	v7 =	vld [tilespmem:s7+$0x60]  }
0x254: {  	[tilespmem:s11+$0x0] =	vst v0;
	v0 =	vld [tilespmem:s2+$0x60]  }
.Ltmp5:
0x255: {  	[tilespmem:s11+$0xFFFFFF80] =	vst v4;
	v4 =	vld [tilespmem:s14+$0x10];
	(pc) =	sbr.rel @p0 .LBB2_12-.Ltmp5, $4  }
0x256: {  	v3 =	vld [tilespmem:s12+$0x10];
	[tilespmem:s6+$0x30] =	vst v5  }
0x257: {  	[tilespmem:s6+$0xFFFFFFB0] =	vst v6;
	v2 =	vld [tilespmem:s10+$0x40]  }
0x258: {  	v1 =	vld [tilespmem:s9+$0x40];
	[tilespmem:s0+$0x60] =	vst v7  }
0x259: {  	s26 =	sadd.s32 $0x2, s26;
	[tilespmem:s0+$0xFFFFFFE0] =	vst v0;
	v0 =	vld [tilespmem:s7+$0x70];
	s7 =	smov.u32 s10;
	s10 =	smov.u32 s14  }
0x25a: {  	[tilespmem:s11+$0x10] =	vst v4  }
0x25b: {  	[tilespmem:s11+$0xFFFFFF90] =	vst v3;
	v59 =	vld [tilespmem:s10+$0x20]  }
0x25c: {  	v60 =	vld [tilespmem:s12+$0x20];
	_ =	sdelay $0x3  }
0x25d: {  	[tilespmem:s11+$0x20] =	vst v59  }
0x25e: {  	[tilespmem:s11+$0xFFFFFFA0] =	vst v60;
	v3 =	vld [tilespmem:s10+$0x30]  }
0x25f: {  	v4 =	vld [tilespmem:s12+$0x30];
	_ =	sdelay $0x3  }
0x260: {  	[tilespmem:s11+$0x30] =	vst v3  }
0x261: {  	[tilespmem:s11+$0xFFFFFFB0] =	vst v4;
	v3 =	vld [tilespmem:s10+$0x40]  }
0x262: {  	v4 =	vld [tilespmem:s12+$0x40];
	_ =	sdelay $0x1  }
0x263: {  	[tilespmem:s6+$0x40] =	vst v2  }
0x264: {  	[tilespmem:s6+$0xFFFFFFC0] =	vst v1;
	v61 =	vld [tilespmem:s7+$0x50]  }
0x265: {  	v62 =	vld [tilespmem:s9+$0x50];
	[tilespmem:s11+$0x40] =	vst v3  }
0x266: {  	[tilespmem:s11+$0xFFFFFFC0] =	vst v4;
	v3 =	vld [tilespmem:s10+$0x50]  }
0x267: {  	v4 =	vld [tilespmem:s12+$0x50];
	_ =	sdelay $0x1  }
0x268: {  	[tilespmem:s6+$0x50] =	vst v61  }
0x269: {  	[tilespmem:s6+$0xFFFFFFD0] =	vst v62;
	v1 =	vld [tilespmem:s7+$0x60]  }
0x26a: {  	v2 =	vld [tilespmem:s9+$0x60];
	[tilespmem:s11+$0x50] =	vst v3  }
0x26b: {  	[tilespmem:s11+$0xFFFFFFD0] =	vst v4;
	v3 =	vld [tilespmem:s10+$0x60]  }
0x26c: {  	v4 =	vld [tilespmem:s12+$0x60];
	_ =	sdelay $0x1  }
0x26d: {  	v5 =	vld [tilespmem:s2+$0x70];
	[tilespmem:s6+$0x60] =	vst v1  }
0x26e: {  	[tilespmem:s6+$0xFFFFFFE0] =	vst v2;
	v1 =	vld [tilespmem:s7+$0x70]  }
0x26f: {  	v2 =	vld [tilespmem:s9+$0x70];
	[tilespmem:s11+$0x60] =	vst v3  }
0x270: {  	[tilespmem:s11+$0xFFFFFFE0] =	vst v4;
	v3 =	vld [tilespmem:s10+$0x70]  }
0x271: {  	[tilespmem:s0+$0x70] =	vst v0;
	v63 =	vld [tilespmem:s12+$0x70]  }
0x272: {  	[tilespmem:s0+$0xFFFFFFF0] =	vst v5  }
0x273: {  	[tilespmem:s6+$0x70] =	vst v1  }
0x274: {  	[tilespmem:s6+$0xFFFFFFF0] =	vst v2  }
0x275: {  	[tilespmem:s11+$0x70] =	vst v3  }
0x276: {  	[tilespmem:s11+$0xFFFFFFF0] =	vst v63  }
0x277: {  	s0 =	rddreg [dreg:$0xc]  }
0x278: {  	[hbm4b:s0+s16] =	stream.strided.scatter [tilespmem:s22], [sflag:$0x5], $0x800, s17, s16, $0x38;
	[tilespmem:$0x1AE90] =	vst v63  }
0x279: {  	_ =	swait.ge [sflag:s28], $0x800  }
0x27a: {  	s29 =	sadd.s32 $0x1, s29;
	s31 =	rddreg [dreg:$0xd]  }
0x27b: {  	p0 =	sne.s32 s29, s31  }
.Ltmp6:
0x27c: {  	_ = 	snop;
	(pc) =	sbr.rel @p0 .LBB2_1-.Ltmp6, $3  }
0x27d: {  	_ =	sdelay $0x1  }
0x27e: {  	[sflag:s28] =	ssyncset.done $0x0  }
0x27f: {  	[sflag:s28] =	ssyncadd.s32 $0xFFFFF800  }
0x280: {  	_ =	sfence.sel $0x180000  }
0x281: {  	[bflag:$0x0] =	sbarrier.arrive $0xFFFF  }
0x282: {  	_ =	strace $0x90000047  }
0x283: {  	s0 =	stileid.u32;
	[bflag:$0x2] =	sbarrier.arrive $0xFFFF  }
0x284: {  	p0 =	sne.s32 s0, $0x0;
	s0 =	rddreg [dreg:$0x4]  }
0x285: {  	s0 =	sadd.s32 @!p0 $0x100000, s0  }
0x286: {  	[sflag:s0] =	ssyncadd.tile.s32 @!p0 $0x1;
	_ =	shalt  }
.Lfunc_end2:
_tile_overlayer_lowered:
.L_overlay_start_2:
0x287: {  	(tag) =	ssettag $0x2  }
0x288: {  	s0 =	rddreg [dreg:$0x0];
	s2 =	stileid.u32  }
0x289: {  	s1 =	rddreg [dreg:$0x1];
	p0 =	sne.s32 s2, $0x0  }
0x28a: {  	s3 =	rddreg [dreg:$0x2];
	[bflag:$0x3] =	sbarrier.arrive $0xFFFF;
	s2 =	simm.s32 @!p0 $0x1C05  }
0x28b: {  	[timem:s3], [sflag:s2] =	dma.local @!p0 [hbm:s0], s1  }
0x28c: {  	s0 =	simm.s32 @!p0 $0x5  }
0x28d: {  	_ =	swait.ge @!p0 [sflag:s0], s1  }
0x28e: {  	s1 =	ssub.s32 @!p0 $0x0, s1;
	[sflag:s0] =	ssyncset.done @!p0 $0x0  }
0x28f: {  	[sflag:s0] =	ssyncadd.s32 @!p0 s1  }
0x290: {  	[bflag:$0x3] =	sbarrier.arrive $0xFFFF  }
0x291: {  	_ =	shalt  }

</sc_bundles>
